<compile_context>
chip_gen: v7x
topology: tpu7x:2x2x1
jax: 0.10.2.dev20260603
libtpu: 0.0.44.dev20260713+nightly
codegen_flags: <defaults>
</compile_context>

<pallas_src>
import functools

import jax
import jax.numpy as jnp
from jax import lax
from jax.experimental import pallas as pl
from jax.experimental.pallas import tpu as pltpu
from jax.experimental.pallas import tpu_sc as plsc

N = 10000
E = 320000
NFEAT = 128
NHID = 128
NCLASS = 64

NC = 2
NS = 16
NW = NC * NS
E_PER_TILE = E // NW
CH = 80
NCH = 126
EP_PER_TILE = NCH * CH
EPAD = EP_PER_TILE - E_PER_TILE
ACC_ROWS = N + 8
ROWS_PER_TILE = 624
ROWS_REM = N - NS * ROWS_PER_TILE

BLK = 1000


def _make_agg(D):
    mesh = plsc.VectorSubcoreMesh(core_axis_name="c", subcore_axis_name="s")

    @functools.partial(
        pl.kernel,
        out_type=jax.ShapeDtypeStruct((NC, N, D), jnp.float32),
        mesh=mesh,
        scratch_types=[
            pltpu.VMEM((NCH * CH,), jnp.int32),
            pltpu.VMEM((NCH, CH), jnp.int32),
            pltpu.VMEM((CH, D), jnp.float32),
            pltpu.VMEM((CH, D), jnp.float32),
            pltpu.VMEM_SHARED((ACC_ROWS, D), jnp.float32),
            pltpu.SemaphoreType.DMA,
            pltpu.SemaphoreType.DMA,
        ],
    )
    def agg(support, srcf, dst3, zeros, out, src_v, dst_v, rows_a, rows_b,
            acc, gsem0, gsem1):
        c = lax.axis_index("c")
        s = lax.axis_index("s")
        wid = c * NS + s
        rbuf = ((rows_a, gsem0), (rows_b, gsem1))
        pltpu.sync_copy(srcf.at[wid], src_v)
        pltpu.sync_copy(dst3.at[wid], dst_v)
        pltpu.sync_copy(zeros, acc.at[pl.ds(s * ROWS_PER_TILE, ROWS_PER_TILE)])

        @pl.when(s == 0)
        def _():
            pltpu.sync_copy(zeros.at[pl.ds(0, ROWS_REM)],
                            acc.at[pl.ds(NS * ROWS_PER_TILE, ROWS_REM)])

        plsc.subcore_barrier()

        def gather(i, b):
            return pltpu.make_async_copy(
                support.at[src_v.at[pl.ds(i * CH, CH)]], rbuf[b][0], rbuf[b][1])

        def scatter(i, b):
            pltpu.sync_copy(rbuf[b][0], acc.at[dst_v.at[i]], add=True)

        gather(0, 0).start()

        def body(j, carry):
            i = 2 * j
            gather(i + 1, 1).start()
            gather(i, 0).wait()
            scatter(i, 0)
            gather(i + 2, 0).start()
            gather(i + 1, 1).wait()
            scatter(i + 1, 1)
            return carry

        lax.fori_loop(0, (NCH - 2) // 2, body, 0)
        i = NCH - 2
        gather(i + 1, 1).start()
        gather(i, 0).wait()
        scatter(i, 0)
        gather(i + 1, 1).wait()
        scatter(i + 1, 1)
        plsc.subcore_barrier()
        pltpu.sync_copy(
            acc.at[pl.ds(s * ROWS_PER_TILE, ROWS_PER_TILE)],
            out.at[c, pl.ds(s * ROWS_PER_TILE, ROWS_PER_TILE)],
        )

        @pl.when(s == 0)
        def _():
            pltpu.sync_copy(
                acc.at[pl.ds(NS * ROWS_PER_TILE, ROWS_REM)],
                out.at[c, pl.ds(NS * ROWS_PER_TILE, ROWS_REM)],
            )

    return agg


_agg128 = _make_agg(NHID)


def _stage_a(x, w0, w1k):
    def body(x_ref, w0_ref, w1_ref, h0_ref, s1_ref):
        h0 = jnp.dot(x_ref[...], w0_ref[...], preferred_element_type=jnp.float32)
        h0_ref[...] = h0
        s1 = jnp.dot(h0, w1_ref[...], preferred_element_type=jnp.float32)
        s1_ref[...] = s1.astype(jnp.bfloat16).astype(jnp.float32)

    return pl.pallas_call(
        body,
        grid=(N // BLK,),
        in_specs=[
            pl.BlockSpec((BLK, NFEAT), lambda i: (i, 0)),
            pl.BlockSpec((NFEAT, NHID), lambda i: (0, 0)),
            pl.BlockSpec((NHID, NHID), lambda i: (0, 0)),
        ],
        out_specs=[
            pl.BlockSpec((BLK, NHID), lambda i: (i, 0)),
            pl.BlockSpec((BLK, NHID), lambda i: (i, 0)),
        ],
        out_shape=[
            jax.ShapeDtypeStruct((N, NHID), jnp.float32),
            jax.ShapeDtypeStruct((N, NHID), jnp.float32),
        ],
    )(x, w0, w1k)


def _stage_b(p, bk, wk):
    def body(p_ref, b_ref, w_ref, s_ref):
        h = jnp.maximum(p_ref[0] + p_ref[1] + b_ref[...], 0.0)
        s = jnp.dot(h, w_ref[...], preferred_element_type=jnp.float32)
        s_ref[...] = s.astype(jnp.bfloat16).astype(jnp.float32)

    return pl.pallas_call(
        body,
        grid=(N // BLK,),
        in_specs=[
            pl.BlockSpec((NC, BLK, NHID), lambda i: (0, i, 0)),
            pl.BlockSpec((1, NHID), lambda i: (0, 0)),
            pl.BlockSpec((NHID, NHID), lambda i: (0, 0)),
        ],
        out_specs=pl.BlockSpec((BLK, NHID), lambda i: (i, 0)),
        out_shape=jax.ShapeDtypeStruct((N, NHID), jnp.float32),
    )(p, bk, wk)


def _stage_c(p, bk, h0):
    def body(p_ref, b_ref, h0_ref, s_ref):
        h2 = jnp.maximum(p_ref[0] + p_ref[1] + b_ref[...], 0.0)
        s_ref[...] = (h2 + h0_ref[...]).astype(jnp.bfloat16).astype(jnp.float32)

    return pl.pallas_call(
        body,
        grid=(N // BLK,),
        in_specs=[
            pl.BlockSpec((NC, BLK, NHID), lambda i: (0, i, 0)),
            pl.BlockSpec((1, NHID), lambda i: (0, 0)),
            pl.BlockSpec((BLK, NHID), lambda i: (i, 0)),
        ],
        out_specs=pl.BlockSpec((BLK, NHID), lambda i: (i, 0)),
        out_shape=jax.ShapeDtypeStruct((N, NHID), jnp.float32),
    )(p, bk, h0)


def _stage_d(p, w2k, b2k):
    def body(p_ref, w_ref, b_ref, o_ref):
        agg = p_ref[0] + p_ref[1]
        o_ref[...] = jnp.dot(agg, w_ref[...],
                             preferred_element_type=jnp.float32) + b_ref[...]

    return pl.pallas_call(
        body,
        grid=(N // BLK,),
        in_specs=[
            pl.BlockSpec((NC, BLK, NHID), lambda i: (0, i, 0)),
            pl.BlockSpec((NHID, NCLASS), lambda i: (0, 0)),
            pl.BlockSpec((1, NCLASS), lambda i: (0, 0)),
        ],
        out_specs=pl.BlockSpec((BLK, NCLASS), lambda i: (i, 0)),
        out_shape=jax.ShapeDtypeStruct((N, NCLASS), jnp.float32),
    )(p, w2k, b2k)


def kernel(x, edge_index, W0, W1, b1, Wm, bm, W2, b2):
    kk = jnp.float32(1.0) / jnp.sqrt(jnp.float32(NHID))
    src3 = jnp.pad(edge_index[0].reshape(NW, E_PER_TILE),
                   ((0, 0), (0, EPAD)))
    dst3 = jnp.pad(edge_index[1].reshape(NW, E_PER_TILE),
                   ((0, 0), (0, EPAD)),
                   constant_values=N).reshape(NW, NCH, CH)
    zeros128 = jnp.zeros((ROWS_PER_TILE, NHID), jnp.float32)

    h0, s1 = _stage_a(x, W0, W1 * kk)
    p1 = _agg128(s1, src3, dst3, zeros128)
    s2 = _stage_b(p1, (b1 * kk).reshape(1, NHID), Wm * kk)
    p2 = _agg128(s2, src3, dst3, zeros128)
    s3 = _stage_c(p2, (bm * kk).reshape(1, NHID), h0)
    p3 = _agg128(s3, src3, dst3, zeros128)
    out = _stage_d(p3, W2 * kk, (b2 * kk).reshape(1, NCLASS))
    return out

# --- scband reference (transcript-rebuilt; emitter-appended) ---
"""Pipeline reference for scband-gcn-skip-15470472200559 (READ-ONLY COPY).

The authoritative reference and input builder live on the scoring server;
editing this copy changes nothing except your own understanding.
"""

import jax, jax.numpy as jnp
import numpy as np

N_NODES = 10000
N_EDGES = 320000
NFEAT = 128
NHID = 128
NCLASS = 64
SIGMA = 1.0


def _uniform(key, shape, stdv):
    return jax.random.uniform(key, shape, dtype=jnp.float32, minval=-stdv, maxval=stdv)


def setup_inputs(seed: int = 0) -> dict:
    key = jax.random.key(seed)
    ks = jax.random.split(key, 10)
    x = jax.random.normal(ks[0], (N_NODES, NFEAT), dtype=jnp.float32)
    edge_index = jax.random.randint(ks[1], (2, N_EDGES), 0, N_NODES, dtype=jnp.int32)
    # input transform weight (non-trainable in torch, init normal(0,1))
    W0 = jax.random.normal(ks[2], (NFEAT, NHID), dtype=jnp.float32)
    # GraphConvolution layers: Kipf-style uniform init
    sh = 1.0 / np.sqrt(NHID)
    sc = 1.0 / np.sqrt(NCLASS)
    W1 = _uniform(ks[3], (NHID, NHID), sh)
    b1 = _uniform(ks[4], (NHID,), sh)
    Wm = _uniform(ks[5], (NHID, NHID), sh)
    bm = _uniform(ks[6], (NHID,), sh)
    W2 = _uniform(ks[7], (NHID, NCLASS), sc)
    b2 = _uniform(ks[8], (NCLASS,), sc)
    return {"x": x, "edge_index": edge_index, "W0": W0, "W1": W1, "b1": b1, "Wm": Wm, "bm": bm, "W2": W2, "b2": b2}


def reference(x, edge_index, W0, W1, b1, Wm, bm, W2, b2):
    src = edge_index[0]
    dst = edge_index[1]

    def gconv(h, W, b):
        # GraphConvolution: support = h @ W ; out = spmm(adj, support) + b
        support = h @ W
        agg = jax.ops.segment_sum(support[src], dst, num_segments=N_NODES)
        return agg + b

    # x = x @ weight ; relu_h0 = False -> h0 = x
    h0 = x @ W0
    k = jnp.sqrt(jnp.float32(SIGMA)) / jnp.sqrt(jnp.float32(NHID))
    # formulation == 'gcn', linear == False
    h = jax.nn.relu(k * gconv(h0, W1, b1))
    # layers = 2 -> one hidden gc layer in the ModuleList
    h = jax.nn.relu(k * gconv(h, Wm, bm))
    # skip connection into the final layer (skip-pc)
    out = k * gconv(h + h0, W2, b2)
    return out

if __name__ == "__main__":
    import jax
    _d = setup_inputs()
    print(jax.jit(kernel)(*tuple(_d.values())))

</pallas_src>

<mosaic_0001>
#map = affine_map<(d0, d1) -> (0, 0)>
#map1 = affine_map<(d0, d1) -> (0, 0, 0)>
module attributes {stable_mosaic.version = 14 : i64} {
  func.func @agg(%arg0: i32, %arg1: i32, %arg2: memref<10000x128xf32, #tpu.memory_space<hbm>>, %arg3: memref<32x10080xi32, #tpu.memory_space<hbm>>, %arg4: memref<32x126x80xi32, #tpu.memory_space<hbm>>, %arg5: memref<624x128xf32, #tpu.memory_space<hbm>>, %arg6: memref<2x10000x128xf32, #tpu.memory_space<hbm>>, %arg7: memref<10080xi32, #tpu.memory_space<vmem>>, %arg8: memref<126x80xi32, #tpu.memory_space<vmem>>, %arg9: memref<80x128xf32, #tpu.memory_space<vmem>>, %arg10: memref<80x128xf32, #tpu.memory_space<vmem>>, %arg11: memref<10008x128xf32, #tpu.memory_space<vmem_shared>>, %arg12: memref<!tpu.dma_semaphore, #tpu.memory_space<semaphore_mem>>, %arg13: memref<!tpu.dma_semaphore, #tpu.memory_space<semaphore_mem>>) attributes {dimension_semantics = [#tpu.dimension_semantics<core_parallel>, #tpu.dimension_semantics<subcore_parallel>], iteration_bounds = array<i64: 2, 16>, scalar_prefetch = 0 : i64, scratch_operands = 7 : i64, tpu.core_type = #tpu.core_type<sc_vector_subcore>, window_params = [{transform_indices = #map}, {transform_indices = #map}, {transform_indices = #map1}, {transform_indices = #map}, {transform_indices = #map1}]} {
    %mul3A = arith.constant 16 : i32
    %mul3A_0 = arith.muli %arg0, %mul3A : i32
    %add3A = arith.addi %mul3A_0, %arg1 : i32
    "tpu.region"() ({
      %run_scoped3A_39 = tpu.sem_alloc : memref<!tpu.dma_semaphore, #tpu.memory_space<semaphore_mem>>
      %dma_start3A_40 = arith.constant 0 : i32
      %dma_start3A_41 = tpu.memref_slice %arg3[%add3A, %dma_start3A_40] : memref<32x10080xi32, #tpu.memory_space<hbm>> -> memref<1x10080xi32, #tpu.memory_space<hbm>>
      %dma_start3A_42 = tpu.memref_squeeze %dma_start3A_41 : memref<1x10080xi32, #tpu.memory_space<hbm>> -> memref<10080xi32, #tpu.memory_space<hbm>>
      %dma_start3A_43 = arith.constant 0 : i32
      %dma_start3A_44 = tpu.memref_slice %arg3[%add3A, %dma_start3A_43] : memref<32x10080xi32, #tpu.memory_space<hbm>> -> memref<1x10080xi32, #tpu.memory_space<hbm>>
      %dma_start3A_45 = tpu.memref_squeeze %dma_start3A_44 : memref<1x10080xi32, #tpu.memory_space<hbm>> -> memref<10080xi32, #tpu.memory_space<hbm>>
      tpu.enqueue_dma source(%dma_start3A_45 : memref<10080xi32, #tpu.memory_space<hbm>>) target(%arg7 : memref<10080xi32, #tpu.memory_space<vmem>>) target_semaphore(%run_scoped3A_39 : memref<!tpu.dma_semaphore, #tpu.memory_space<semaphore_mem>>)
      %dma_wait3A_46 = arith.constant 0 : i32
      %dma_wait3A_47 = tpu.memref_slice %arg3[%add3A, %dma_wait3A_46] : memref<32x10080xi32, #tpu.memory_space<hbm>> -> memref<1x10080xi32, #tpu.memory_space<hbm>>
      %dma_wait3A_48 = tpu.memref_squeeze %dma_wait3A_47 : memref<1x10080xi32, #tpu.memory_space<hbm>> -> memref<10080xi32, #tpu.memory_space<hbm>>
      %dma_wait3A_49 = arith.constant 0 : i32
      %dma_wait3A_50 = tpu.memref_slice %arg3[%add3A, %dma_wait3A_49] : memref<32x10080xi32, #tpu.memory_space<hbm>> -> memref<1x10080xi32, #tpu.memory_space<hbm>>
      %dma_wait3A_51 = tpu.memref_squeeze %dma_wait3A_50 : memref<1x10080xi32, #tpu.memory_space<hbm>> -> memref<10080xi32, #tpu.memory_space<hbm>>
      tpu.wait_dma2 semaphore(%run_scoped3A_39 : memref<!tpu.dma_semaphore, #tpu.memory_space<semaphore_mem>>) src(%dma_wait3A_51 : memref<10080xi32, #tpu.memory_space<hbm>>) dst(%arg7 : memref<10080xi32, #tpu.memory_space<vmem>>)
      tpu.yield
    }) : () -> ()
    "tpu.region"() ({
      %run_scoped3A_39 = tpu.sem_alloc : memref<!tpu.dma_semaphore, #tpu.memory_space<semaphore_mem>>
      %dma_start3A_40 = arith.constant 0 : i32
      %dma_start3A_41 = arith.constant 0 : i32
      %dma_start3A_42 = tpu.memref_slice %arg4[%add3A, %dma_start3A_40, %dma_start3A_41] : memref<32x126x80xi32, #tpu.memory_space<hbm>> -> memref<1x126x80xi32, #tpu.memory_space<hbm>>
      %dma_start3A_43 = tpu.memref_squeeze %dma_start3A_42 : memref<1x126x80xi32, #tpu.memory_space<hbm>> -> memref<126x80xi32, #tpu.memory_space<hbm>>
      %dma_start3A_44 = arith.constant 0 : i32
      %dma_start3A_45 = arith.constant 0 : i32
      %dma_start3A_46 = tpu.memref_slice %arg4[%add3A, %dma_start3A_44, %dma_start3A_45] : memref<32x126x80xi32, #tpu.memory_space<hbm>> -> memref<1x126x80xi32, #tpu.memory_space<hbm>>
      %dma_start3A_47 = tpu.memref_squeeze %dma_start3A_46 : memref<1x126x80xi32, #tpu.memory_space<hbm>> -> memref<126x80xi32, #tpu.memory_space<hbm>>
      tpu.enqueue_dma source(%dma_start3A_47 : memref<126x80xi32, #tpu.memory_space<hbm>>) target(%arg8 : memref<126x80xi32, #tpu.memory_space<vmem>>) target_semaphore(%run_scoped3A_39 : memref<!tpu.dma_semaphore, #tpu.memory_space<semaphore_mem>>)
      %dma_wait3A_48 = arith.constant 0 : i32
      %dma_wait3A_49 = arith.constant 0 : i32
      %dma_wait3A_50 = tpu.memref_slice %arg4[%add3A, %dma_wait3A_48, %dma_wait3A_49] : memref<32x126x80xi32, #tpu.memory_space<hbm>> -> memref<1x126x80xi32, #tpu.memory_space<hbm>>
      %dma_wait3A_51 = tpu.memref_squeeze %dma_wait3A_50 : memref<1x126x80xi32, #tpu.memory_space<hbm>> -> memref<126x80xi32, #tpu.memory_space<hbm>>
      %dma_wait3A_52 = arith.constant 0 : i32
      %dma_wait3A_53 = arith.constant 0 : i32
      %dma_wait3A_54 = tpu.memref_slice %arg4[%add3A, %dma_wait3A_52, %dma_wait3A_53] : memref<32x126x80xi32, #tpu.memory_space<hbm>> -> memref<1x126x80xi32, #tpu.memory_space<hbm>>
      %dma_wait3A_55 = tpu.memref_squeeze %dma_wait3A_54 : memref<1x126x80xi32, #tpu.memory_space<hbm>> -> memref<126x80xi32, #tpu.memory_space<hbm>>
      tpu.wait_dma2 semaphore(%run_scoped3A_39 : memref<!tpu.dma_semaphore, #tpu.memory_space<semaphore_mem>>) src(%dma_wait3A_55 : memref<126x80xi32, #tpu.memory_space<hbm>>) dst(%arg8 : memref<126x80xi32, #tpu.memory_space<vmem>>)
      tpu.yield
    }) : () -> ()
    %mul3A_1 = arith.constant 624 : i32
    %mul3A_2 = arith.muli %arg1, %mul3A_1 : i32
    "tpu.region"() ({
      %run_scoped3A_39 = tpu.sem_alloc : memref<!tpu.dma_semaphore, #tpu.memory_space<semaphore_mem>>
      %dma_start3A_40 = arith.constant 0 : i32
      %dma_start3A_41 = tpu.memref_slice %arg11[%mul3A_2, %dma_start3A_40] : memref<10008x128xf32, #tpu.memory_space<vmem_shared>> -> memref<624x128xf32, #tpu.memory_space<vmem_shared>>
      tpu.enqueue_dma source(%arg5 : memref<624x128xf32, #tpu.memory_space<hbm>>) target(%dma_start3A_41 : memref<624x128xf32, #tpu.memory_space<vmem_shared>>) target_semaphore(%run_scoped3A_39 : memref<!tpu.dma_semaphore, #tpu.memory_space<semaphore_mem>>)
      %dma_wait3A_42 = arith.constant 0 : i32
      %dma_wait3A_43 = tpu.memref_slice %arg11[%mul3A_2, %dma_wait3A_42] : memref<10008x128xf32, #tpu.memory_space<vmem_shared>> -> memref<624x128xf32, #tpu.memory_space<vmem_shared>>
      tpu.wait_dma2 semaphore(%run_scoped3A_39 : memref<!tpu.dma_semaphore, #tpu.memory_space<semaphore_mem>>) src(%arg5 : memref<624x128xf32, #tpu.memory_space<hbm>>) dst(%dma_wait3A_43 : memref<624x128xf32, #tpu.memory_space<vmem_shared>>)
      tpu.yield
    }) : () -> ()
    %eq3A = arith.constant 0 : i32
    %eq3A_3 = arith.cmpi eq, %arg1, %eq3A : i32
    %convert_element_type3A = arith.extui %eq3A_3 : i1 to i32
    %cond3A = arith.constant 0 : i32
    %cond3A_4 = arith.cmpi ne, %convert_element_type3A, %cond3A : i32
    scf.if %cond3A_4 {
      "tpu.region"() ({
        %run_scoped3A_39 = tpu.sem_alloc : memref<!tpu.dma_semaphore, #tpu.memory_space<semaphore_mem>>
        %dma_start3A_40 = arith.constant 9984 : i32
        %dma_start3A_41 = arith.constant 0 : i32
        %dma_start3A_42 = tpu.memref_slice %arg11[%dma_start3A_40, %dma_start3A_41] : memref<10008x128xf32, #tpu.memory_space<vmem_shared>> -> memref<16x128xf32, #tpu.memory_space<vmem_shared>>
        %dma_start3A_43 = arith.constant 0 : i32
        %dma_start3A_44 = arith.constant 0 : i32
        %dma_start3A_45 = tpu.memref_slice %arg5[%dma_start3A_43, %dma_start3A_44] : memref<624x128xf32, #tpu.memory_space<hbm>> -> memref<16x128xf32, #tpu.memory_space<hbm>>
        tpu.enqueue_dma source(%dma_start3A_45 : memref<16x128xf32, #tpu.memory_space<hbm>>) target(%dma_start3A_42 : memref<16x128xf32, #tpu.memory_space<vmem_shared>>) target_semaphore(%run_scoped3A_39 : memref<!tpu.dma_semaphore, #tpu.memory_space<semaphore_mem>>)
        %dma_wait3A_46 = arith.constant 9984 : i32
        %dma_wait3A_47 = arith.constant 0 : i32
        %dma_wait3A_48 = tpu.memref_slice %arg11[%dma_wait3A_46, %dma_wait3A_47] : memref<10008x128xf32, #tpu.memory_space<vmem_shared>> -> memref<16x128xf32, #tpu.memory_space<vmem_shared>>
        %dma_wait3A_49 = arith.constant 0 : i32
        %dma_wait3A_50 = arith.constant 0 : i32
        %dma_wait3A_51 = tpu.memref_slice %arg5[%dma_wait3A_49, %dma_wait3A_50] : memref<624x128xf32, #tpu.memory_space<hbm>> -> memref<16x128xf32, #tpu.memory_space<hbm>>
        tpu.wait_dma2 semaphore(%run_scoped3A_39 : memref<!tpu.dma_semaphore, #tpu.memory_space<semaphore_mem>>) src(%dma_wait3A_51 : memref<16x128xf32, #tpu.memory_space<hbm>>) dst(%dma_wait3A_48 : memref<16x128xf32, #tpu.memory_space<vmem_shared>>)
        tpu.yield
      }) : () -> ()
    } else {
    }
    %barrier3A = arith.constant 0 : index
    tpu.barrier barrier_id(%barrier3A)
    %dma_start3A = arith.constant 0 : i32
    %dma_start3A_5 = tpu.memref_slice %arg7[%dma_start3A] : memref<10080xi32, #tpu.memory_space<vmem>> -> memref<80xi32, #tpu.memory_space<vmem>>
    %dma_start3A_6 = arith.constant 0 : i32
    %dma_start3A_7 = arith.constant 0 : i32
    %dma_start3A_8 = tpu.memref_slice %arg2[%dma_start3A_6, %dma_start3A_7] : memref<10000x128xf32, #tpu.memory_space<hbm>> -> memref<10000x128xf32, #tpu.memory_space<hbm>>
    tpu.enqueue_indirect_dma source(%dma_start3A_8 : memref<10000x128xf32, #tpu.memory_space<hbm>>) target(%arg9 : memref<80x128xf32, #tpu.memory_space<vmem>>) offsets(%dma_start3A_5 : memref<80xi32, #tpu.memory_space<vmem>>) semaphore(%arg12 : memref<!tpu.dma_semaphore, #tpu.memory_space<semaphore_mem>>)
    %scan3A = arith.constant 0 : i32
    %scan3A_9 = arith.constant 0 : i32
    %scan3A_10 = arith.constant 62 : i32
    %scan3A_11 = arith.addi %scan3A_9, %scan3A_10 : i32
    %scan3A_12 = arith.constant 1 : i32
    scf.for %scan3A_39 = %scan3A_9 to %scan3A_11 step %scan3A_12  : i32 {
      %mul3A_40 = arith.constant 2 : i32
      %mul3A_41 = arith.muli %mul3A_40, %scan3A_39 : i32
      %add3A_42 = arith.constant 1 : i32
      %add3A_43 = arith.addi %mul3A_41, %add3A_42 : i32
      %mul3A_44 = arith.constant 80 : i32
      %mul3A_45 = arith.muli %add3A_43, %mul3A_44 : i32
      %dma_start3A_46 = tpu.memref_slice %arg7[%mul3A_45] : memref<10080xi32, #tpu.memory_space<vmem>> -> memref<80xi32, #tpu.memory_space<vmem>>
      %dma_start3A_47 = arith.constant 0 : i32
      %dma_start3A_48 = arith.constant 0 : i32
      %dma_start3A_49 = tpu.memref_slice %arg2[%dma_start3A_47, %dma_start3A_48] : memref<10000x128xf32, #tpu.memory_space<hbm>> -> memref<10000x128xf32, #tpu.memory_space<hbm>>
      tpu.enqueue_indirect_dma source(%dma_start3A_49 : memref<10000x128xf32, #tpu.memory_space<hbm>>) target(%arg10 : memref<80x128xf32, #tpu.memory_space<vmem>>) offsets(%dma_start3A_46 : memref<80xi32, #tpu.memory_space<vmem>>) semaphore(%arg13 : memref<!tpu.dma_semaphore, #tpu.memory_space<semaphore_mem>>)
      %mul3A_50 = arith.constant 80 : i32
      %mul3A_51 = arith.muli %mul3A_41, %mul3A_50 : i32
      %dma_wait3A_52 = tpu.memref_slice %arg7[%mul3A_51] : memref<10080xi32, #tpu.memory_space<vmem>> -> memref<80xi32, #tpu.memory_space<vmem>>
      %dma_wait3A_53 = arith.constant 0 : i32
      %dma_wait3A_54 = arith.constant 0 : i32
      %dma_wait3A_55 = tpu.memref_slice %arg2[%dma_wait3A_53, %dma_wait3A_54] : memref<10000x128xf32, #tpu.memory_space<hbm>> -> memref<10000x128xf32, #tpu.memory_space<hbm>>
      tpu.wait_indirect_dma semaphore(%arg12 : memref<!tpu.dma_semaphore, #tpu.memory_space<semaphore_mem>>) src(%dma_wait3A_55 : memref<10000x128xf32, #tpu.memory_space<hbm>>) dst(%arg9 : memref<80x128xf32, #tpu.memory_space<vmem>>)
      "tpu.region"() ({
        %run_scoped3A_74 = tpu.sem_alloc : memref<!tpu.dma_semaphore, #tpu.memory_space<semaphore_mem>>
        %dma_start3A_75 = arith.constant 0 : i32
        %dma_start3A_76 = tpu.memref_slice %arg8[%mul3A_41, %dma_start3A_75] : memref<126x80xi32, #tpu.memory_space<vmem>> -> memref<1x80xi32, #tpu.memory_space<vmem>>
        %dma_start3A_77 = tpu.memref_squeeze %dma_start3A_76 : memref<1x80xi32, #tpu.memory_space<vmem>> -> memref<80xi32, #tpu.memory_space<vmem>>
        %dma_start3A_78 = arith.constant 0 : i32
        %dma_start3A_79 = arith.constant 0 : i32
        %dma_start3A_80 = tpu.memref_slice %arg11[%dma_start3A_78, %dma_start3A_79] : memref<10008x128xf32, #tpu.memory_space<vmem_shared>> -> memref<10008x128xf32, #tpu.memory_space<vmem_shared>>
        tpu.enqueue_indirect_dma source(%arg9 : memref<80x128xf32, #tpu.memory_space<vmem>>) target(%dma_start3A_80 : memref<10008x128xf32, #tpu.memory_space<vmem_shared>>) offsets(%dma_start3A_77 : memref<80xi32, #tpu.memory_space<vmem>>) semaphore(%run_scoped3A_74 : memref<!tpu.dma_semaphore, #tpu.memory_space<semaphore_mem>>) {add = true}
        %dma_wait3A_81 = arith.constant 0 : i32
        %dma_wait3A_82 = tpu.memref_slice %arg8[%mul3A_41, %dma_wait3A_81] : memref<126x80xi32, #tpu.memory_space<vmem>> -> memref<1x80xi32, #tpu.memory_space<vmem>>
        %dma_wait3A_83 = tpu.memref_squeeze %dma_wait3A_82 : memref<1x80xi32, #tpu.memory_space<vmem>> -> memref<80xi32, #tpu.memory_space<vmem>>
        %dma_wait3A_84 = arith.constant 0 : i32
        %dma_wait3A_85 = arith.constant 0 : i32
        %dma_wait3A_86 = tpu.memref_slice %arg11[%dma_wait3A_84, %dma_wait3A_85] : memref<10008x128xf32, #tpu.memory_space<vmem_shared>> -> memref<10008x128xf32, #tpu.memory_space<vmem_shared>>
        tpu.wait_indirect_dma semaphore(%run_scoped3A_74 : memref<!tpu.dma_semaphore, #tpu.memory_space<semaphore_mem>>) src(%arg9 : memref<80x128xf32, #tpu.memory_space<vmem>>) dst(%dma_wait3A_86 : memref<10008x128xf32, #tpu.memory_space<vmem_shared>>)
        tpu.yield
      }) : () -> ()
      %add3A_56 = arith.constant 2 : i32
      %add3A_57 = arith.addi %mul3A_41, %add3A_56 : i32
      %mul3A_58 = arith.constant 80 : i32
      %mul3A_59 = arith.muli %add3A_57, %mul3A_58 : i32
      %dma_start3A_60 = tpu.memref_slice %arg7[%mul3A_59] : memref<10080xi32, #tpu.memory_space<vmem>> -> memref<80xi32, #tpu.memory_space<vmem>>
      %dma_start3A_61 = arith.constant 0 : i32
      %dma_start3A_62 = arith.constant 0 : i32
      %dma_start3A_63 = tpu.memref_slice %arg2[%dma_start3A_61, %dma_start3A_62] : memref<10000x128xf32, #tpu.memory_space<hbm>> -> memref<10000x128xf32, #tpu.memory_space<hbm>>
      tpu.enqueue_indirect_dma source(%dma_start3A_63 : memref<10000x128xf32, #tpu.memory_space<hbm>>) target(%arg9 : memref<80x128xf32, #tpu.memory_space<vmem>>) offsets(%dma_start3A_60 : memref<80xi32, #tpu.memory_space<vmem>>) semaphore(%arg12 : memref<!tpu.dma_semaphore, #tpu.memory_space<semaphore_mem>>)
      %add3A_64 = arith.constant 1 : i32
      %add3A_65 = arith.addi %mul3A_41, %add3A_64 : i32
      %mul3A_66 = arith.constant 80 : i32
      %mul3A_67 = arith.muli %add3A_65, %mul3A_66 : i32
      %dma_wait3A_68 = tpu.memref_slice %arg7[%mul3A_67] : memref<10080xi32, #tpu.memory_space<vmem>> -> memref<80xi32, #tpu.memory_space<vmem>>
      %dma_wait3A_69 = arith.constant 0 : i32
      %dma_wait3A_70 = arith.constant 0 : i32
      %dma_wait3A_71 = tpu.memref_slice %arg2[%dma_wait3A_69, %dma_wait3A_70] : memref<10000x128xf32, #tpu.memory_space<hbm>> -> memref<10000x128xf32, #tpu.memory_space<hbm>>
      tpu.wait_indirect_dma semaphore(%arg13 : memref<!tpu.dma_semaphore, #tpu.memory_space<semaphore_mem>>) src(%dma_wait3A_71 : memref<10000x128xf32, #tpu.memory_space<hbm>>) dst(%arg10 : memref<80x128xf32, #tpu.memory_space<vmem>>)
      %add3A_72 = arith.constant 1 : i32
      %add3A_73 = arith.addi %mul3A_41, %add3A_72 : i32
      "tpu.region"() ({
        %run_scoped3A_74 = tpu.sem_alloc : memref<!tpu.dma_semaphore, #tpu.memory_space<semaphore_mem>>
        %dma_start3A_75 = arith.constant 0 : i32
        %dma_start3A_76 = tpu.memref_slice %arg8[%add3A_73, %dma_start3A_75] : memref<126x80xi32, #tpu.memory_space<vmem>> -> memref<1x80xi32, #tpu.memory_space<vmem>>
        %dma_start3A_77 = tpu.memref_squeeze %dma_start3A_76 : memref<1x80xi32, #tpu.memory_space<vmem>> -> memref<80xi32, #tpu.memory_space<vmem>>
        %dma_start3A_78 = arith.constant 0 : i32
        %dma_start3A_79 = arith.constant 0 : i32
        %dma_start3A_80 = tpu.memref_slice %arg11[%dma_start3A_78, %dma_start3A_79] : memref<10008x128xf32, #tpu.memory_space<vmem_shared>> -> memref<10008x128xf32, #tpu.memory_space<vmem_shared>>
        tpu.enqueue_indirect_dma source(%arg10 : memref<80x128xf32, #tpu.memory_space<vmem>>) target(%dma_start3A_80 : memref<10008x128xf32, #tpu.memory_space<vmem_shared>>) offsets(%dma_start3A_77 : memref<80xi32, #tpu.memory_space<vmem>>) semaphore(%run_scoped3A_74 : memref<!tpu.dma_semaphore, #tpu.memory_space<semaphore_mem>>) {add = true}
        %dma_wait3A_81 = arith.constant 0 : i32
        %dma_wait3A_82 = tpu.memref_slice %arg8[%add3A_73, %dma_wait3A_81] : memref<126x80xi32, #tpu.memory_space<vmem>> -> memref<1x80xi32, #tpu.memory_space<vmem>>
        %dma_wait3A_83 = tpu.memref_squeeze %dma_wait3A_82 : memref<1x80xi32, #tpu.memory_space<vmem>> -> memref<80xi32, #tpu.memory_space<vmem>>
        %dma_wait3A_84 = arith.constant 0 : i32
        %dma_wait3A_85 = arith.constant 0 : i32
        %dma_wait3A_86 = tpu.memref_slice %arg11[%dma_wait3A_84, %dma_wait3A_85] : memref<10008x128xf32, #tpu.memory_space<vmem_shared>> -> memref<10008x128xf32, #tpu.memory_space<vmem_shared>>
        tpu.wait_indirect_dma semaphore(%run_scoped3A_74 : memref<!tpu.dma_semaphore, #tpu.memory_space<semaphore_mem>>) src(%arg10 : memref<80x128xf32, #tpu.memory_space<vmem>>) dst(%dma_wait3A_86 : memref<10008x128xf32, #tpu.memory_space<vmem_shared>>)
        tpu.yield
      }) : () -> ()
    }
    %scan3A_13 = arith.constant 62 : i32
    %dma_start3A_14 = arith.constant 10000 : i32
    %dma_start3A_15 = tpu.memref_slice %arg7[%dma_start3A_14] : memref<10080xi32, #tpu.memory_space<vmem>> -> memref<80xi32, #tpu.memory_space<vmem>>
    %dma_start3A_16 = arith.constant 0 : i32
    %dma_start3A_17 = arith.constant 0 : i32
    %dma_start3A_18 = tpu.memref_slice %arg2[%dma_start3A_16, %dma_start3A_17] : memref<10000x128xf32, #tpu.memory_space<hbm>> -> memref<10000x128xf32, #tpu.memory_space<hbm>>
    tpu.enqueue_indirect_dma source(%dma_start3A_18 : memref<10000x128xf32, #tpu.memory_space<hbm>>) target(%arg10 : memref<80x128xf32, #tpu.memory_space<vmem>>) offsets(%dma_start3A_15 : memref<80xi32, #tpu.memory_space<vmem>>) semaphore(%arg13 : memref<!tpu.dma_semaphore, #tpu.memory_space<semaphore_mem>>)
    %dma_wait3A = arith.constant 9920 : i32
    %dma_wait3A_19 = tpu.memref_slice %arg7[%dma_wait3A] : memref<10080xi32, #tpu.memory_space<vmem>> -> memref<80xi32, #tpu.memory_space<vmem>>
    %dma_wait3A_20 = arith.constant 0 : i32
    %dma_wait3A_21 = arith.constant 0 : i32
    %dma_wait3A_22 = tpu.memref_slice %arg2[%dma_wait3A_20, %dma_wait3A_21] : memref<10000x128xf32, #tpu.memory_space<hbm>> -> memref<10000x128xf32, #tpu.memory_space<hbm>>
    tpu.wait_indirect_dma semaphore(%arg12 : memref<!tpu.dma_semaphore, #tpu.memory_space<semaphore_mem>>) src(%dma_wait3A_22 : memref<10000x128xf32, #tpu.memory_space<hbm>>) dst(%arg9 : memref<80x128xf32, #tpu.memory_space<vmem>>)
    %run_scoped3A = arith.constant 124 : i32
    "tpu.region"() ({
      %run_scoped3A_39 = tpu.sem_alloc : memref<!tpu.dma_semaphore, #tpu.memory_space<semaphore_mem>>
      %dma_start3A_40 = arith.constant 0 : i32
      %dma_start3A_41 = tpu.memref_slice %arg8[%run_scoped3A, %dma_start3A_40] : memref<126x80xi32, #tpu.memory_space<vmem>> -> memref<1x80xi32, #tpu.memory_space<vmem>>
      %dma_start3A_42 = tpu.memref_squeeze %dma_start3A_41 : memref<1x80xi32, #tpu.memory_space<vmem>> -> memref<80xi32, #tpu.memory_space<vmem>>
      %dma_start3A_43 = arith.constant 0 : i32
      %dma_start3A_44 = arith.constant 0 : i32
      %dma_start3A_45 = tpu.memref_slice %arg11[%dma_start3A_43, %dma_start3A_44] : memref<10008x128xf32, #tpu.memory_space<vmem_shared>> -> memref<10008x128xf32, #tpu.memory_space<vmem_shared>>
      tpu.enqueue_indirect_dma source(%arg9 : memref<80x128xf32, #tpu.memory_space<vmem>>) target(%dma_start3A_45 : memref<10008x128xf32, #tpu.memory_space<vmem_shared>>) offsets(%dma_start3A_42 : memref<80xi32, #tpu.memory_space<vmem>>) semaphore(%run_scoped3A_39 : memref<!tpu.dma_semaphore, #tpu.memory_space<semaphore_mem>>) {add = true}
      %dma_wait3A_46 = arith.constant 0 : i32
      %dma_wait3A_47 = tpu.memref_slice %arg8[%run_scoped3A, %dma_wait3A_46] : memref<126x80xi32, #tpu.memory_space<vmem>> -> memref<1x80xi32, #tpu.memory_space<vmem>>
      %dma_wait3A_48 = tpu.memref_squeeze %dma_wait3A_47 : memref<1x80xi32, #tpu.memory_space<vmem>> -> memref<80xi32, #tpu.memory_space<vmem>>
      %dma_wait3A_49 = arith.constant 0 : i32
      %dma_wait3A_50 = arith.constant 0 : i32
      %dma_wait3A_51 = tpu.memref_slice %arg11[%dma_wait3A_49, %dma_wait3A_50] : memref<10008x128xf32, #tpu.memory_space<vmem_shared>> -> memref<10008x128xf32, #tpu.memory_space<vmem_shared>>
      tpu.wait_indirect_dma semaphore(%run_scoped3A_39 : memref<!tpu.dma_semaphore, #tpu.memory_space<semaphore_mem>>) src(%arg9 : memref<80x128xf32, #tpu.memory_space<vmem>>) dst(%dma_wait3A_51 : memref<10008x128xf32, #tpu.memory_space<vmem_shared>>)
      tpu.yield
    }) : () -> ()
    %dma_wait3A_23 = arith.constant 10000 : i32
    %dma_wait3A_24 = tpu.memref_slice %arg7[%dma_wait3A_23] : memref<10080xi32, #tpu.memory_space<vmem>> -> memref<80xi32, #tpu.memory_space<vmem>>
    %dma_wait3A_25 = arith.constant 0 : i32
    %dma_wait3A_26 = arith.constant 0 : i32
    %dma_wait3A_27 = tpu.memref_slice %arg2[%dma_wait3A_25, %dma_wait3A_26] : memref<10000x128xf32, #tpu.memory_space<hbm>> -> memref<10000x128xf32, #tpu.memory_space<hbm>>
    tpu.wait_indirect_dma semaphore(%arg13 : memref<!tpu.dma_semaphore, #tpu.memory_space<semaphore_mem>>) src(%dma_wait3A_27 : memref<10000x128xf32, #tpu.memory_space<hbm>>) dst(%arg10 : memref<80x128xf32, #tpu.memory_space<vmem>>)
    %run_scoped3A_28 = arith.constant 125 : i32
    "tpu.region"() ({
      %run_scoped3A_39 = tpu.sem_alloc : memref<!tpu.dma_semaphore, #tpu.memory_space<semaphore_mem>>
      %dma_start3A_40 = arith.constant 0 : i32
      %dma_start3A_41 = tpu.memref_slice %arg8[%run_scoped3A_28, %dma_start3A_40] : memref<126x80xi32, #tpu.memory_space<vmem>> -> memref<1x80xi32, #tpu.memory_space<vmem>>
      %dma_start3A_42 = tpu.memref_squeeze %dma_start3A_41 : memref<1x80xi32, #tpu.memory_space<vmem>> -> memref<80xi32, #tpu.memory_space<vmem>>
      %dma_start3A_43 = arith.constant 0 : i32
      %dma_start3A_44 = arith.constant 0 : i32
      %dma_start3A_45 = tpu.memref_slice %arg11[%dma_start3A_43, %dma_start3A_44] : memref<10008x128xf32, #tpu.memory_space<vmem_shared>> -> memref<10008x128xf32, #tpu.memory_space<vmem_shared>>
      tpu.enqueue_indirect_dma source(%arg10 : memref<80x128xf32, #tpu.memory_space<vmem>>) target(%dma_start3A_45 : memref<10008x128xf32, #tpu.memory_space<vmem_shared>>) offsets(%dma_start3A_42 : memref<80xi32, #tpu.memory_space<vmem>>) semaphore(%run_scoped3A_39 : memref<!tpu.dma_semaphore, #tpu.memory_space<semaphore_mem>>) {add = true}
      %dma_wait3A_46 = arith.constant 0 : i32
      %dma_wait3A_47 = tpu.memref_slice %arg8[%run_scoped3A_28, %dma_wait3A_46] : memref<126x80xi32, #tpu.memory_space<vmem>> -> memref<1x80xi32, #tpu.memory_space<vmem>>
      %dma_wait3A_48 = tpu.memref_squeeze %dma_wait3A_47 : memref<1x80xi32, #tpu.memory_space<vmem>> -> memref<80xi32, #tpu.memory_space<vmem>>
      %dma_wait3A_49 = arith.constant 0 : i32
      %dma_wait3A_50 = arith.constant 0 : i32
      %dma_wait3A_51 = tpu.memref_slice %arg11[%dma_wait3A_49, %dma_wait3A_50] : memref<10008x128xf32, #tpu.memory_space<vmem_shared>> -> memref<10008x128xf32, #tpu.memory_space<vmem_shared>>
      tpu.wait_indirect_dma semaphore(%run_scoped3A_39 : memref<!tpu.dma_semaphore, #tpu.memory_space<semaphore_mem>>) src(%arg10 : memref<80x128xf32, #tpu.memory_space<vmem>>) dst(%dma_wait3A_51 : memref<10008x128xf32, #tpu.memory_space<vmem_shared>>)
      tpu.yield
    }) : () -> ()
    %barrier3A_29 = arith.constant 0 : index
    tpu.barrier barrier_id(%barrier3A_29)
    %mul3A_30 = arith.constant 624 : i32
    %mul3A_31 = arith.muli %arg1, %mul3A_30 : i32
    %mul3A_32 = arith.constant 624 : i32
    %mul3A_33 = arith.muli %arg1, %mul3A_32 : i32
    "tpu.region"() ({
      %run_scoped3A_39 = tpu.sem_alloc : memref<!tpu.dma_semaphore, #tpu.memory_space<semaphore_mem>>
      %dma_start3A_40 = arith.constant 0 : i32
      %dma_start3A_41 = tpu.memref_slice %arg6[%arg0, %mul3A_33, %dma_start3A_40] : memref<2x10000x128xf32, #tpu.memory_space<hbm>> -> memref<1x624x128xf32, #tpu.memory_space<hbm>>
      %dma_start3A_42 = tpu.memref_squeeze %dma_start3A_41 : memref<1x624x128xf32, #tpu.memory_space<hbm>> -> memref<624x128xf32, #tpu.memory_space<hbm>>
      %dma_start3A_43 = arith.constant 0 : i32
      %dma_start3A_44 = tpu.memref_slice %arg11[%mul3A_31, %dma_start3A_43] : memref<10008x128xf32, #tpu.memory_space<vmem_shared>> -> memref<624x128xf32, #tpu.memory_space<vmem_shared>>
      tpu.enqueue_dma source(%dma_start3A_44 : memref<624x128xf32, #tpu.memory_space<vmem_shared>>) target(%dma_start3A_42 : memref<624x128xf32, #tpu.memory_space<hbm>>) target_semaphore(%run_scoped3A_39 : memref<!tpu.dma_semaphore, #tpu.memory_space<semaphore_mem>>)
      %dma_wait3A_45 = arith.constant 0 : i32
      %dma_wait3A_46 = tpu.memref_slice %arg6[%arg0, %mul3A_33, %dma_wait3A_45] : memref<2x10000x128xf32, #tpu.memory_space<hbm>> -> memref<1x624x128xf32, #tpu.memory_space<hbm>>
      %dma_wait3A_47 = tpu.memref_squeeze %dma_wait3A_46 : memref<1x624x128xf32, #tpu.memory_space<hbm>> -> memref<624x128xf32, #tpu.memory_space<hbm>>
      %dma_wait3A_48 = arith.constant 0 : i32
      %dma_wait3A_49 = tpu.memref_slice %arg11[%mul3A_31, %dma_wait3A_48] : memref<10008x128xf32, #tpu.memory_space<vmem_shared>> -> memref<624x128xf32, #tpu.memory_space<vmem_shared>>
      tpu.wait_dma2 semaphore(%run_scoped3A_39 : memref<!tpu.dma_semaphore, #tpu.memory_space<semaphore_mem>>) src(%dma_wait3A_49 : memref<624x128xf32, #tpu.memory_space<vmem_shared>>) dst(%dma_wait3A_47 : memref<624x128xf32, #tpu.memory_space<hbm>>)
      tpu.yield
    }) : () -> ()
    %eq3A_34 = arith.constant 0 : i32
    %eq3A_35 = arith.cmpi eq, %arg1, %eq3A_34 : i32
    %convert_element_type3A_36 = arith.extui %eq3A_35 : i1 to i32
    %cond3A_37 = arith.constant 0 : i32
    %cond3A_38 = arith.cmpi ne, %convert_element_type3A_36, %cond3A_37 : i32
    scf.if %cond3A_38 {
      "tpu.region"() ({
        %run_scoped3A_39 = tpu.sem_alloc : memref<!tpu.dma_semaphore, #tpu.memory_space<semaphore_mem>>
        %dma_start3A_40 = arith.constant 9984 : i32
        %dma_start3A_41 = arith.constant 0 : i32
        %dma_start3A_42 = tpu.memref_slice %arg6[%arg0, %dma_start3A_40, %dma_start3A_41] : memref<2x10000x128xf32, #tpu.memory_space<hbm>> -> memref<1x16x128xf32, #tpu.memory_space<hbm>>
        %dma_start3A_43 = tpu.memref_squeeze %dma_start3A_42 : memref<1x16x128xf32, #tpu.memory_space<hbm>> -> memref<16x128xf32, #tpu.memory_space<hbm>>
        %dma_start3A_44 = arith.constant 9984 : i32
        %dma_start3A_45 = arith.constant 0 : i32
        %dma_start3A_46 = tpu.memref_slice %arg11[%dma_start3A_44, %dma_start3A_45] : memref<10008x128xf32, #tpu.memory_space<vmem_shared>> -> memref<16x128xf32, #tpu.memory_space<vmem_shared>>
        tpu.enqueue_dma source(%dma_start3A_46 : memref<16x128xf32, #tpu.memory_space<vmem_shared>>) target(%dma_start3A_43 : memref<16x128xf32, #tpu.memory_space<hbm>>) target_semaphore(%run_scoped3A_39 : memref<!tpu.dma_semaphore, #tpu.memory_space<semaphore_mem>>)
        %dma_wait3A_47 = arith.constant 9984 : i32
        %dma_wait3A_48 = arith.constant 0 : i32
        %dma_wait3A_49 = tpu.memref_slice %arg6[%arg0, %dma_wait3A_47, %dma_wait3A_48] : memref<2x10000x128xf32, #tpu.memory_space<hbm>> -> memref<1x16x128xf32, #tpu.memory_space<hbm>>
        %dma_wait3A_50 = tpu.memref_squeeze %dma_wait3A_49 : memref<1x16x128xf32, #tpu.memory_space<hbm>> -> memref<16x128xf32, #tpu.memory_space<hbm>>
        %dma_wait3A_51 = arith.constant 9984 : i32
        %dma_wait3A_52 = arith.constant 0 : i32
        %dma_wait3A_53 = tpu.memref_slice %arg11[%dma_wait3A_51, %dma_wait3A_52] : memref<10008x128xf32, #tpu.memory_space<vmem_shared>> -> memref<16x128xf32, #tpu.memory_space<vmem_shared>>
        tpu.wait_dma2 semaphore(%run_scoped3A_39 : memref<!tpu.dma_semaphore, #tpu.memory_space<semaphore_mem>>) src(%dma_wait3A_53 : memref<16x128xf32, #tpu.memory_space<vmem_shared>>) dst(%dma_wait3A_50 : memref<16x128xf32, #tpu.memory_space<hbm>>)
        tpu.yield
      }) : () -> ()
    } else {
    }
    return
  }
}

#map = affine_map<(d0, d1) -> (0, 0)>
#map1 = affine_map<(d0, d1) -> (0, 0, 0)>
module attributes {stable_mosaic.version = 14 : i64} {
  func.func @agg(%arg0: i32, %arg1: i32, %arg2: memref<10000x128xf32, #tpu.memory_space<hbm>>, %arg3: memref<32x10080xi32, #tpu.memory_space<hbm>>, %arg4: memref<32x126x80xi32, #tpu.memory_space<hbm>>, %arg5: memref<624x128xf32, #tpu.memory_space<hbm>>, %arg6: memref<2x10000x128xf32, #tpu.memory_space<hbm>>, %arg7: memref<10080xi32, #tpu.memory_space<vmem>>, %arg8: memref<126x80xi32, #tpu.memory_space<vmem>>, %arg9: memref<80x128xf32, #tpu.memory_space<vmem>>, %arg10: memref<80x128xf32, #tpu.memory_space<vmem>>, %arg11: memref<10008x128xf32, #tpu.memory_space<vmem_shared>>, %arg12: memref<!tpu.dma_semaphore, #tpu.memory_space<semaphore_mem>>, %arg13: memref<!tpu.dma_semaphore, #tpu.memory_space<semaphore_mem>>) attributes {dimension_semantics = [#tpu.dimension_semantics<core_parallel>, #tpu.dimension_semantics<subcore_parallel>], iteration_bounds = array<i64: 2, 16>, scalar_prefetch = 0 : i64, scratch_operands = 7 : i64, tpu.core_type = #tpu.core_type<sc_vector_subcore>, window_params = [{transform_indices = #map}, {transform_indices = #map}, {transform_indices = #map1}, {transform_indices = #map}, {transform_indices = #map1}]} {
    %mul3A = arith.constant 16 : i32
    %mul3A_0 = arith.muli %arg0, %mul3A : i32
    %add3A = arith.addi %mul3A_0, %arg1 : i32
    "tpu.region"() ({
      %run_scoped3A_39 = tpu.sem_alloc : memref<!tpu.dma_semaphore, #tpu.memory_space<semaphore_mem>>
      %dma_start3A_40 = arith.constant 0 : i32
      %dma_start3A_41 = tpu.memref_slice %arg3[%add3A, %dma_start3A_40] : memref<32x10080xi32, #tpu.memory_space<hbm>> -> memref<1x10080xi32, #tpu.memory_space<hbm>>
      %dma_start3A_42 = tpu.memref_squeeze %dma_start3A_41 : memref<1x10080xi32, #tpu.memory_space<hbm>> -> memref<10080xi32, #tpu.memory_space<hbm>>
      %dma_start3A_43 = arith.constant 0 : i32
      %dma_start3A_44 = tpu.memref_slice %arg3[%add3A, %dma_start3A_43] : memref<32x10080xi32, #tpu.memory_space<hbm>> -> memref<1x10080xi32, #tpu.memory_space<hbm>>
      %dma_start3A_45 = tpu.memref_squeeze %dma_start3A_44 : memref<1x10080xi32, #tpu.memory_space<hbm>> -> memref<10080xi32, #tpu.memory_space<hbm>>
      tpu.enqueue_dma source(%dma_start3A_45 : memref<10080xi32, #tpu.memory_space<hbm>>) target(%arg7 : memref<10080xi32, #tpu.memory_space<vmem>>) target_semaphore(%run_scoped3A_39 : memref<!tpu.dma_semaphore, #tpu.memory_space<semaphore_mem>>)
      %dma_wait3A_46 = arith.constant 0 : i32
      %dma_wait3A_47 = tpu.memref_slice %arg3[%add3A, %dma_wait3A_46] : memref<32x10080xi32, #tpu.memory_space<hbm>> -> memref<1x10080xi32, #tpu.memory_space<hbm>>
      %dma_wait3A_48 = tpu.memref_squeeze %dma_wait3A_47 : memref<1x10080xi32, #tpu.memory_space<hbm>> -> memref<10080xi32, #tpu.memory_space<hbm>>
      %dma_wait3A_49 = arith.constant 0 : i32
      %dma_wait3A_50 = tpu.memref_slice %arg3[%add3A, %dma_wait3A_49] : memref<32x10080xi32, #tpu.memory_space<hbm>> -> memref<1x10080xi32, #tpu.memory_space<hbm>>
      %dma_wait3A_51 = tpu.memref_squeeze %dma_wait3A_50 : memref<1x10080xi32, #tpu.memory_space<hbm>> -> memref<10080xi32, #tpu.memory_space<hbm>>
      tpu.wait_dma2 semaphore(%run_scoped3A_39 : memref<!tpu.dma_semaphore, #tpu.memory_space<semaphore_mem>>) src(%dma_wait3A_51 : memref<10080xi32, #tpu.memory_space<hbm>>) dst(%arg7 : memref<10080xi32, #tpu.memory_space<vmem>>)
      tpu.yield
    }) : () -> ()
    "tpu.region"() ({
      %run_scoped3A_39 = tpu.sem_alloc : memref<!tpu.dma_semaphore, #tpu.memory_space<semaphore_mem>>
      %dma_start3A_40 = arith.constant 0 : i32
      %dma_start3A_41 = arith.constant 0 : i32
      %dma_start3A_42 = tpu.memref_slice %arg4[%add3A, %dma_start3A_40, %dma_start3A_41] : memref<32x126x80xi32, #tpu.memory_space<hbm>> -> memref<1x126x80xi32, #tpu.memory_space<hbm>>
      %dma_start3A_43 = tpu.memref_squeeze %dma_start3A_42 : memref<1x126x80xi32, #tpu.memory_space<hbm>> -> memref<126x80xi32, #tpu.memory_space<hbm>>
      %dma_start3A_44 = arith.constant 0 : i32
      %dma_start3A_45 = arith.constant 0 : i32
      %dma_start3A_46 = tpu.memref_slice %arg4[%add3A, %dma_start3A_44, %dma_start3A_45] : memref<32x126x80xi32, #tpu.memory_space<hbm>> -> memref<1x126x80xi32, #tpu.memory_space<hbm>>
      %dma_start3A_47 = tpu.memref_squeeze %dma_start3A_46 : memref<1x126x80xi32, #tpu.memory_space<hbm>> -> memref<126x80xi32, #tpu.memory_space<hbm>>
      tpu.enqueue_dma source(%dma_start3A_47 : memref<126x80xi32, #tpu.memory_space<hbm>>) target(%arg8 : memref<126x80xi32, #tpu.memory_space<vmem>>) target_semaphore(%run_scoped3A_39 : memref<!tpu.dma_semaphore, #tpu.memory_space<semaphore_mem>>)
      %dma_wait3A_48 = arith.constant 0 : i32
      %dma_wait3A_49 = arith.constant 0 : i32
      %dma_wait3A_50 = tpu.memref_slice %arg4[%add3A, %dma_wait3A_48, %dma_wait3A_49] : memref<32x126x80xi32, #tpu.memory_space<hbm>> -> memref<1x126x80xi32, #tpu.memory_space<hbm>>
      %dma_wait3A_51 = tpu.memref_squeeze %dma_wait3A_50 : memref<1x126x80xi32, #tpu.memory_space<hbm>> -> memref<126x80xi32, #tpu.memory_space<hbm>>
      %dma_wait3A_52 = arith.constant 0 : i32
      %dma_wait3A_53 = arith.constant 0 : i32
      %dma_wait3A_54 = tpu.memref_slice %arg4[%add3A, %dma_wait3A_52, %dma_wait3A_53] : memref<32x126x80xi32, #tpu.memory_space<hbm>> -> memref<1x126x80xi32, #tpu.memory_space<hbm>>
      %dma_wait3A_55 = tpu.memref_squeeze %dma_wait3A_54 : memref<1x126x80xi32, #tpu.memory_space<hbm>> -> memref<126x80xi32, #tpu.memory_space<hbm>>
      tpu.wait_dma2 semaphore(%run_scoped3A_39 : memref<!tpu.dma_semaphore, #tpu.memory_space<semaphore_mem>>) src(%dma_wait3A_55 : memref<126x80xi32, #tpu.memory_space<hbm>>) dst(%arg8 : memref<126x80xi32, #tpu.memory_space<vmem>>)
      tpu.yield
    }) : () -> ()
    %mul3A_1 = arith.constant 624 : i32
    %mul3A_2 = arith.muli %arg1, %mul3A_1 : i32
    "tpu.region"() ({
      %run_scoped3A_39 = tpu.sem_alloc : memref<!tpu.dma_semaphore, #tpu.memory_space<semaphore_mem>>
      %dma_start3A_40 = arith.constant 0 : i32
      %dma_start3A_41 = tpu.memref_slice %arg11[%mul3A_2, %dma_start3A_40] : memref<10008x128xf32, #tpu.memory_space<vmem_shared>> -> memref<624x128xf32, #tpu.memory_space<vmem_shared>>
      tpu.enqueue_dma source(%arg5 : memref<624x128xf32, #tpu.memory_space<hbm>>) target(%dma_start3A_41 : memref<624x128xf32, #tpu.memory_space<vmem_shared>>) target_semaphore(%run_scoped3A_39 : memref<!tpu.dma_semaphore, #tpu.memory_space<semaphore_mem>>)
      %dma_wait3A_42 = arith.constant 0 : i32
      %dma_wait3A_43 = tpu.memref_slice %arg11[%mul3A_2, %dma_wait3A_42] : memref<10008x128xf32, #tpu.memory_space<vmem_shared>> -> memref<624x128xf32, #tpu.memory_space<vmem_shared>>
      tpu.wait_dma2 semaphore(%run_scoped3A_39 : memref<!tpu.dma_semaphore, #tpu.memory_space<semaphore_mem>>) src(%arg5 : memref<624x128xf32, #tpu.memory_space<hbm>>) dst(%dma_wait3A_43 : memref<624x128xf32, #tpu.memory_space<vmem_shared>>)
      tpu.yield
    }) : () -> ()
    %eq3A = arith.constant 0 : i32
    %eq3A_3 = arith.cmpi eq, %arg1, %eq3A : i32
    %convert_element_type3A = arith.extui %eq3A_3 : i1 to i32
    %cond3A = arith.constant 0 : i32
    %cond3A_4 = arith.cmpi ne, %convert_element_type3A, %cond3A : i32
    scf.if %cond3A_4 {
      "tpu.region"() ({
        %run_scoped3A_39 = tpu.sem_alloc : memref<!tpu.dma_semaphore, #tpu.memory_space<semaphore_mem>>
        %dma_start3A_40 = arith.constant 9984 : i32
        %dma_start3A_41 = arith.constant 0 : i32
        %dma_start3A_42 = tpu.memref_slice %arg11[%dma_start3A_40, %dma_start3A_41] : memref<10008x128xf32, #tpu.memory_space<vmem_shared>> -> memref<16x128xf32, #tpu.memory_space<vmem_shared>>
        %dma_start3A_43 = arith.constant 0 : i32
        %dma_start3A_44 = arith.constant 0 : i32
        %dma_start3A_45 = tpu.memref_slice %arg5[%dma_start3A_43, %dma_start3A_44] : memref<624x128xf32, #tpu.memory_space<hbm>> -> memref<16x128xf32, #tpu.memory_space<hbm>>
        tpu.enqueue_dma source(%dma_start3A_45 : memref<16x128xf32, #tpu.memory_space<hbm>>) target(%dma_start3A_42 : memref<16x128xf32, #tpu.memory_space<vmem_shared>>) target_semaphore(%run_scoped3A_39 : memref<!tpu.dma_semaphore, #tpu.memory_space<semaphore_mem>>)
        %dma_wait3A_46 = arith.constant 9984 : i32
        %dma_wait3A_47 = arith.constant 0 : i32
        %dma_wait3A_48 = tpu.memref_slice %arg11[%dma_wait3A_46, %dma_wait3A_47] : memref<10008x128xf32, #tpu.memory_space<vmem_shared>> -> memref<16x128xf32, #tpu.memory_space<vmem_shared>>
        %dma_wait3A_49 = arith.constant 0 : i32
        %dma_wait3A_50 = arith.constant 0 : i32
        %dma_wait3A_51 = tpu.memref_slice %arg5[%dma_wait3A_49, %dma_wait3A_50] : memref<624x128xf32, #tpu.memory_space<hbm>> -> memref<16x128xf32, #tpu.memory_space<hbm>>
        tpu.wait_dma2 semaphore(%run_scoped3A_39 : memref<!tpu.dma_semaphore, #tpu.memory_space<semaphore_mem>>) src(%dma_wait3A_51 : memref<16x128xf32, #tpu.memory_space<hbm>>) dst(%dma_wait3A_48 : memref<16x128xf32, #tpu.memory_space<vmem_shared>>)
        tpu.yield
      }) : () -> ()
    } else {
    }
    %barrier3A = arith.constant 0 : index
    tpu.barrier barrier_id(%barrier3A)
    %dma_start3A = arith.constant 0 : i32
    %dma_start3A_5 = tpu.memref_slice %arg7[%dma_start3A] : memref<10080xi32, #tpu.memory_space<vmem>> -> memref<80xi32, #tpu.memory_space<vmem>>
    %dma_start3A_6 = arith.constant 0 : i32
    %dma_start3A_7 = arith.constant 0 : i32
    %dma_start3A_8 = tpu.memref_slice %arg2[%dma_start3A_6, %dma_start3A_7] : memref<10000x128xf32, #tpu.memory_space<hbm>> -> memref<10000x128xf32, #tpu.memory_space<hbm>>
    tpu.enqueue_indirect_dma source(%dma_start3A_8 : memref<10000x128xf32, #tpu.memory_space<hbm>>) target(%arg9 : memref<80x128xf32, #tpu.memory_space<vmem>>) offsets(%dma_start3A_5 : memref<80xi32, #tpu.memory_space<vmem>>) semaphore(%arg12 : memref<!tpu.dma_semaphore, #tpu.memory_space<semaphore_mem>>)
    %scan3A = arith.constant 0 : i32
    %scan3A_9 = arith.constant 0 : i32
    %scan3A_10 = arith.constant 62 : i32
    %scan3A_11 = arith.addi %scan3A_9, %scan3A_10 : i32
    %scan3A_12 = arith.constant 1 : i32
    scf.for %scan3A_39 = %scan3A_9 to %scan3A_11 step %scan3A_12  : i32 {
      %mul3A_40 = arith.constant 2 : i32
      %mul3A_41 = arith.muli %mul3A_40, %scan3A_39 : i32
      %add3A_42 = arith.constant 1 : i32
      %add3A_43 = arith.addi %mul3A_41, %add3A_42 : i32
      %mul3A_44 = arith.constant 80 : i32
      %mul3A_45 = arith.muli %add3A_43, %mul3A_44 : i32
      %dma_start3A_46 = tpu.memref_slice %arg7[%mul3A_45] : memref<10080xi32, #tpu.memory_space<vmem>> -> memref<80xi32, #tpu.memory_space<vmem>>
      %dma_start3A_47 = arith.constant 0 : i32
      %dma_start3A_48 = arith.constant 0 : i32
      %dma_start3A_49 = tpu.memref_slice %arg2[%dma_start3A_47, %dma_start3A_48] : memref<10000x128xf32, #tpu.memory_space<hbm>> -> memref<10000x128xf32, #tpu.memory_space<hbm>>
      tpu.enqueue_indirect_dma source(%dma_start3A_49 : memref<10000x128xf32, #tpu.memory_space<hbm>>) target(%arg10 : memref<80x128xf32, #tpu.memory_space<vmem>>) offsets(%dma_start3A_46 : memref<80xi32, #tpu.memory_space<vmem>>) semaphore(%arg13 : memref<!tpu.dma_semaphore, #tpu.memory_space<semaphore_mem>>)
      %mul3A_50 = arith.constant 80 : i32
      %mul3A_51 = arith.muli %mul3A_41, %mul3A_50 : i32
      %dma_wait3A_52 = tpu.memref_slice %arg7[%mul3A_51] : memref<10080xi32, #tpu.memory_space<vmem>> -> memref<80xi32, #tpu.memory_space<vmem>>
      %dma_wait3A_53 = arith.constant 0 : i32
      %dma_wait3A_54 = arith.constant 0 : i32
      %dma_wait3A_55 = tpu.memref_slice %arg2[%dma_wait3A_53, %dma_wait3A_54] : memref<10000x128xf32, #tpu.memory_space<hbm>> -> memref<10000x128xf32, #tpu.memory_space<hbm>>
      tpu.wait_indirect_dma semaphore(%arg12 : memref<!tpu.dma_semaphore, #tpu.memory_space<semaphore_mem>>) src(%dma_wait3A_55 : memref<10000x128xf32, #tpu.memory_space<hbm>>) dst(%arg9 : memref<80x128xf32, #tpu.memory_space<vmem>>)
      "tpu.region"() ({
        %run_scoped3A_74 = tpu.sem_alloc : memref<!tpu.dma_semaphore, #tpu.memory_space<semaphore_mem>>
        %dma_start3A_75 = arith.constant 0 : i32
        %dma_start3A_76 = tpu.memref_slice %arg8[%mul3A_41, %dma_start3A_75] : memref<126x80xi32, #tpu.memory_space<vmem>> -> memref<1x80xi32, #tpu.memory_space<vmem>>
        %dma_start3A_77 = tpu.memref_squeeze %dma_start3A_76 : memref<1x80xi32, #tpu.memory_space<vmem>> -> memref<80xi32, #tpu.memory_space<vmem>>
        %dma_start3A_78 = arith.constant 0 : i32
        %dma_start3A_79 = arith.constant 0 : i32
        %dma_start3A_80 = tpu.memref_slice %arg11[%dma_start3A_78, %dma_start3A_79] : memref<10008x128xf32, #tpu.memory_space<vmem_shared>> -> memref<10008x128xf32, #tpu.memory_space<vmem_shared>>
        tpu.enqueue_indirect_dma source(%arg9 : memref<80x128xf32, #tpu.memory_space<vmem>>) target(%dma_start3A_80 : memref<10008x128xf32, #tpu.memory_space<vmem_shared>>) offsets(%dma_start3A_77 : memref<80xi32, #tpu.memory_space<vmem>>) semaphore(%run_scoped3A_74 : memref<!tpu.dma_semaphore, #tpu.memory_space<semaphore_mem>>) {add = true}
        %dma_wait3A_81 = arith.constant 0 : i32
        %dma_wait3A_82 = tpu.memref_slice %arg8[%mul3A_41, %dma_wait3A_81] : memref<126x80xi32, #tpu.memory_space<vmem>> -> memref<1x80xi32, #tpu.memory_space<vmem>>
        %dma_wait3A_83 = tpu.memref_squeeze %dma_wait3A_82 : memref<1x80xi32, #tpu.memory_space<vmem>> -> memref<80xi32, #tpu.memory_space<vmem>>
        %dma_wait3A_84 = arith.constant 0 : i32
        %dma_wait3A_85 = arith.constant 0 : i32
        %dma_wait3A_86 = tpu.memref_slice %arg11[%dma_wait3A_84, %dma_wait3A_85] : memref<10008x128xf32, #tpu.memory_space<vmem_shared>> -> memref<10008x128xf32, #tpu.memory_space<vmem_shared>>
        tpu.wait_indirect_dma semaphore(%run_scoped3A_74 : memref<!tpu.dma_semaphore, #tpu.memory_space<semaphore_mem>>) src(%arg9 : memref<80x128xf32, #tpu.memory_space<vmem>>) dst(%dma_wait3A_86 : memref<10008x128xf32, #tpu.memory_space<vmem_shared>>)
        tpu.yield
      }) : () -> ()
      %add3A_56 = arith.constant 2 : i32
      %add3A_57 = arith.addi %mul3A_41, %add3A_56 : i32
      %mul3A_58 = arith.constant 80 : i32
      %mul3A_59 = arith.muli %add3A_57, %mul3A_58 : i32
      %dma_start3A_60 = tpu.memref_slice %arg7[%mul3A_59] : memref<10080xi32, #tpu.memory_space<vmem>> -> memref<80xi32, #tpu.memory_space<vmem>>
      %dma_start3A_61 = arith.constant 0 : i32
      %dma_start3A_62 = arith.constant 0 : i32
      %dma_start3A_63 = tpu.memref_slice %arg2[%dma_start3A_61, %dma_start3A_62] : memref<10000x128xf32, #tpu.memory_space<hbm>> -> memref<10000x128xf32, #tpu.memory_space<hbm>>
      tpu.enqueue_indirect_dma source(%dma_start3A_63 : memref<10000x128xf32, #tpu.memory_space<hbm>>) target(%arg9 : memref<80x128xf32, #tpu.memory_space<vmem>>) offsets(%dma_start3A_60 : memref<80xi32, #tpu.memory_space<vmem>>) semaphore(%arg12 : memref<!tpu.dma_semaphore, #tpu.memory_space<semaphore_mem>>)
      %add3A_64 = arith.constant 1 : i32
      %add3A_65 = arith.addi %mul3A_41, %add3A_64 : i32
      %mul3A_66 = arith.constant 80 : i32
      %mul3A_67 = arith.muli %add3A_65, %mul3A_66 : i32
      %dma_wait3A_68 = tpu.memref_slice %arg7[%mul3A_67] : memref<10080xi32, #tpu.memory_space<vmem>> -> memref<80xi32, #tpu.memory_space<vmem>>
      %dma_wait3A_69 = arith.constant 0 : i32
      %dma_wait3A_70 = arith.constant 0 : i32
      %dma_wait3A_71 = tpu.memref_slice %arg2[%dma_wait3A_69, %dma_wait3A_70] : memref<10000x128xf32, #tpu.memory_space<hbm>> -> memref<10000x128xf32, #tpu.memory_space<hbm>>
      tpu.wait_indirect_dma semaphore(%arg13 : memref<!tpu.dma_semaphore, #tpu.memory_space<semaphore_mem>>) src(%dma_wait3A_71 : memref<10000x128xf32, #tpu.memory_space<hbm>>) dst(%arg10 : memref<80x128xf32, #tpu.memory_space<vmem>>)
      %add3A_72 = arith.constant 1 : i32
      %add3A_73 = arith.addi %mul3A_41, %add3A_72 : i32
      "tpu.region"() ({
        %run_scoped3A_74 = tpu.sem_alloc : memref<!tpu.dma_semaphore, #tpu.memory_space<semaphore_mem>>
        %dma_start3A_75 = arith.constant 0 : i32
        %dma_start3A_76 = tpu.memref_slice %arg8[%add3A_73, %dma_start3A_75] : memref<126x80xi32, #tpu.memory_space<vmem>> -> memref<1x80xi32, #tpu.memory_space<vmem>>
        %dma_start3A_77 = tpu.memref_squeeze %dma_start3A_76 : memref<1x80xi32, #tpu.memory_space<vmem>> -> memref<80xi32, #tpu.memory_space<vmem>>
        %dma_start3A_78 = arith.constant 0 : i32
        %dma_start3A_79 = arith.constant 0 : i32
        %dma_start3A_80 = tpu.memref_slice %arg11[%dma_start3A_78, %dma_start3A_79] : memref<10008x128xf32, #tpu.memory_space<vmem_shared>> -> memref<10008x128xf32, #tpu.memory_space<vmem_shared>>
        tpu.enqueue_indirect_dma source(%arg10 : memref<80x128xf32, #tpu.memory_space<vmem>>) target(%dma_start3A_80 : memref<10008x128xf32, #tpu.memory_space<vmem_shared>>) offsets(%dma_start3A_77 : memref<80xi32, #tpu.memory_space<vmem>>) semaphore(%run_scoped3A_74 : memref<!tpu.dma_semaphore, #tpu.memory_space<semaphore_mem>>) {add = true}
        %dma_wait3A_81 = arith.constant 0 : i32
        %dma_wait3A_82 = tpu.memref_slice %arg8[%add3A_73, %dma_wait3A_81] : memref<126x80xi32, #tpu.memory_space<vmem>> -> memref<1x80xi32, #tpu.memory_space<vmem>>
        %dma_wait3A_83 = tpu.memref_squeeze %dma_wait3A_82 : memref<1x80xi32, #tpu.memory_space<vmem>> -> memref<80xi32, #tpu.memory_space<vmem>>
        %dma_wait3A_84 = arith.constant 0 : i32
        %dma_wait3A_85 = arith.constant 0 : i32
        %dma_wait3A_86 = tpu.memref_slice %arg11[%dma_wait3A_84, %dma_wait3A_85] : memref<10008x128xf32, #tpu.memory_space<vmem_shared>> -> memref<10008x128xf32, #tpu.memory_space<vmem_shared>>
        tpu.wait_indirect_dma semaphore(%run_scoped3A_74 : memref<!tpu.dma_semaphore, #tpu.memory_space<semaphore_mem>>) src(%arg10 : memref<80x128xf32, #tpu.memory_space<vmem>>) dst(%dma_wait3A_86 : memref<10008x128xf32, #tpu.memory_space<vmem_shared>>)
        tpu.yield
      }) : () -> ()
    }
    %scan3A_13 = arith.constant 62 : i32
    %dma_start3A_14 = arith.constant 10000 : i32
    %dma_start3A_15 = tpu.memref_slice %arg7[%dma_start3A_14] : memref<10080xi32, #tpu.memory_space<vmem>> -> memref<80xi32, #tpu.memory_space<vmem>>
    %dma_start3A_16 = arith.constant 0 : i32
    %dma_start3A_17 = arith.constant 0 : i32
    %dma_start3A_18 = tpu.memref_slice %arg2[%dma_start3A_16, %dma_start3A_17] : memref<10000x128xf32, #tpu.memory_space<hbm>> -> memref<10000x128xf32, #tpu.memory_space<hbm>>
    tpu.enqueue_indirect_dma source(%dma_start3A_18 : memref<10000x128xf32, #tpu.memory_space<hbm>>) target(%arg10 : memref<80x128xf32, #tpu.memory_space<vmem>>) offsets(%dma_start3A_15 : memref<80xi32, #tpu.memory_space<vmem>>) semaphore(%arg13 : memref<!tpu.dma_semaphore, #tpu.memory_space<semaphore_mem>>)
    %dma_wait3A = arith.constant 9920 : i32
    %dma_wait3A_19 = tpu.memref_slice %arg7[%dma_wait3A] : memref<10080xi32, #tpu.memory_space<vmem>> -> memref<80xi32, #tpu.memory_space<vmem>>
    %dma_wait3A_20 = arith.constant 0 : i32
    %dma_wait3A_21 = arith.constant 0 : i32
    %dma_wait3A_22 = tpu.memref_slice %arg2[%dma_wait3A_20, %dma_wait3A_21] : memref<10000x128xf32, #tpu.memory_space<hbm>> -> memref<10000x128xf32, #tpu.memory_space<hbm>>
    tpu.wait_indirect_dma semaphore(%arg12 : memref<!tpu.dma_semaphore, #tpu.memory_space<semaphore_mem>>) src(%dma_wait3A_22 : memref<10000x128xf32, #tpu.memory_space<hbm>>) dst(%arg9 : memref<80x128xf32, #tpu.memory_space<vmem>>)
    %run_scoped3A = arith.constant 124 : i32
    "tpu.region"() ({
      %run_scoped3A_39 = tpu.sem_alloc : memref<!tpu.dma_semaphore, #tpu.memory_space<semaphore_mem>>
      %dma_start3A_40 = arith.constant 0 : i32
      %dma_start3A_41 = tpu.memref_slice %arg8[%run_scoped3A, %dma_start3A_40] : memref<126x80xi32, #tpu.memory_space<vmem>> -> memref<1x80xi32, #tpu.memory_space<vmem>>
      %dma_start3A_42 = tpu.memref_squeeze %dma_start3A_41 : memref<1x80xi32, #tpu.memory_space<vmem>> -> memref<80xi32, #tpu.memory_space<vmem>>
      %dma_start3A_43 = arith.constant 0 : i32
      %dma_start3A_44 = arith.constant 0 : i32
      %dma_start3A_45 = tpu.memref_slice %arg11[%dma_start3A_43, %dma_start3A_44] : memref<10008x128xf32, #tpu.memory_space<vmem_shared>> -> memref<10008x128xf32, #tpu.memory_space<vmem_shared>>
      tpu.enqueue_indirect_dma source(%arg9 : memref<80x128xf32, #tpu.memory_space<vmem>>) target(%dma_start3A_45 : memref<10008x128xf32, #tpu.memory_space<vmem_shared>>) offsets(%dma_start3A_42 : memref<80xi32, #tpu.memory_space<vmem>>) semaphore(%run_scoped3A_39 : memref<!tpu.dma_semaphore, #tpu.memory_space<semaphore_mem>>) {add = true}
      %dma_wait3A_46 = arith.constant 0 : i32
      %dma_wait3A_47 = tpu.memref_slice %arg8[%run_scoped3A, %dma_wait3A_46] : memref<126x80xi32, #tpu.memory_space<vmem>> -> memref<1x80xi32, #tpu.memory_space<vmem>>
      %dma_wait3A_48 = tpu.memref_squeeze %dma_wait3A_47 : memref<1x80xi32, #tpu.memory_space<vmem>> -> memref<80xi32, #tpu.memory_space<vmem>>
      %dma_wait3A_49 = arith.constant 0 : i32
      %dma_wait3A_50 = arith.constant 0 : i32
      %dma_wait3A_51 = tpu.memref_slice %arg11[%dma_wait3A_49, %dma_wait3A_50] : memref<10008x128xf32, #tpu.memory_space<vmem_shared>> -> memref<10008x128xf32, #tpu.memory_space<vmem_shared>>
      tpu.wait_indirect_dma semaphore(%run_scoped3A_39 : memref<!tpu.dma_semaphore, #tpu.memory_space<semaphore_mem>>) src(%arg9 : memref<80x128xf32, #tpu.memory_space<vmem>>) dst(%dma_wait3A_51 : memref<10008x128xf32, #tpu.memory_space<vmem_shared>>)
      tpu.yield
    }) : () -> ()
    %dma_wait3A_23 = arith.constant 10000 : i32
    %dma_wait3A_24 = tpu.memref_slice %arg7[%dma_wait3A_23] : memref<10080xi32, #tpu.memory_space<vmem>> -> memref<80xi32, #tpu.memory_space<vmem>>
    %dma_wait3A_25 = arith.constant 0 : i32
    %dma_wait3A_26 = arith.constant 0 : i32
    %dma_wait3A_27 = tpu.memref_slice %arg2[%dma_wait3A_25, %dma_wait3A_26] : memref<10000x128xf32, #tpu.memory_space<hbm>> -> memref<10000x128xf32, #tpu.memory_space<hbm>>
    tpu.wait_indirect_dma semaphore(%arg13 : memref<!tpu.dma_semaphore, #tpu.memory_space<semaphore_mem>>) src(%dma_wait3A_27 : memref<10000x128xf32, #tpu.memory_space<hbm>>) dst(%arg10 : memref<80x128xf32, #tpu.memory_space<vmem>>)
    %run_scoped3A_28 = arith.constant 125 : i32
    "tpu.region"() ({
      %run_scoped3A_39 = tpu.sem_alloc : memref<!tpu.dma_semaphore, #tpu.memory_space<semaphore_mem>>
      %dma_start3A_40 = arith.constant 0 : i32
      %dma_start3A_41 = tpu.memref_slice %arg8[%run_scoped3A_28, %dma_start3A_40] : memref<126x80xi32, #tpu.memory_space<vmem>> -> memref<1x80xi32, #tpu.memory_space<vmem>>
      %dma_start3A_42 = tpu.memref_squeeze %dma_start3A_41 : memref<1x80xi32, #tpu.memory_space<vmem>> -> memref<80xi32, #tpu.memory_space<vmem>>
      %dma_start3A_43 = arith.constant 0 : i32
      %dma_start3A_44 = arith.constant 0 : i32
      %dma_start3A_45 = tpu.memref_slice %arg11[%dma_start3A_43, %dma_start3A_44] : memref<10008x128xf32, #tpu.memory_space<vmem_shared>> -> memref<10008x128xf32, #tpu.memory_space<vmem_shared>>
      tpu.enqueue_indirect_dma source(%arg10 : memref<80x128xf32, #tpu.memory_space<vmem>>) target(%dma_start3A_45 : memref<10008x128xf32, #tpu.memory_space<vmem_shared>>) offsets(%dma_start3A_42 : memref<80xi32, #tpu.memory_space<vmem>>) semaphore(%run_scoped3A_39 : memref<!tpu.dma_semaphore, #tpu.memory_space<semaphore_mem>>) {add = true}
      %dma_wait3A_46 = arith.constant 0 : i32
      %dma_wait3A_47 = tpu.memref_slice %arg8[%run_scoped3A_28, %dma_wait3A_46] : memref<126x80xi32, #tpu.memory_space<vmem>> -> memref<1x80xi32, #tpu.memory_space<vmem>>
      %dma_wait3A_48 = tpu.memref_squeeze %dma_wait3A_47 : memref<1x80xi32, #tpu.memory_space<vmem>> -> memref<80xi32, #tpu.memory_space<vmem>>
      %dma_wait3A_49 = arith.constant 0 : i32
      %dma_wait3A_50 = arith.constant 0 : i32
      %dma_wait3A_51 = tpu.memref_slice %arg11[%dma_wait3A_49, %dma_wait3A_50] : memref<10008x128xf32, #tpu.memory_space<vmem_shared>> -> memref<10008x128xf32, #tpu.memory_space<vmem_shared>>
      tpu.wait_indirect_dma semaphore(%run_scoped3A_39 : memref<!tpu.dma_semaphore, #tpu.memory_space<semaphore_mem>>) src(%arg10 : memref<80x128xf32, #tpu.memory_space<vmem>>) dst(%dma_wait3A_51 : memref<10008x128xf32, #tpu.memory_space<vmem_shared>>)
      tpu.yield
    }) : () -> ()
    %barrier3A_29 = arith.constant 0 : index
    tpu.barrier barrier_id(%barrier3A_29)
    %mul3A_30 = arith.constant 624 : i32
    %mul3A_31 = arith.muli %arg1, %mul3A_30 : i32
    %mul3A_32 = arith.constant 624 : i32
    %mul3A_33 = arith.muli %arg1, %mul3A_32 : i32
    "tpu.region"() ({
      %run_scoped3A_39 = tpu.sem_alloc : memref<!tpu.dma_semaphore, #tpu.memory_space<semaphore_mem>>
      %dma_start3A_40 = arith.constant 0 : i32
      %dma_start3A_41 = tpu.memref_slice %arg6[%arg0, %mul3A_33, %dma_start3A_40] : memref<2x10000x128xf32, #tpu.memory_space<hbm>> -> memref<1x624x128xf32, #tpu.memory_space<hbm>>
      %dma_start3A_42 = tpu.memref_squeeze %dma_start3A_41 : memref<1x624x128xf32, #tpu.memory_space<hbm>> -> memref<624x128xf32, #tpu.memory_space<hbm>>
      %dma_start3A_43 = arith.constant 0 : i32
      %dma_start3A_44 = tpu.memref_slice %arg11[%mul3A_31, %dma_start3A_43] : memref<10008x128xf32, #tpu.memory_space<vmem_shared>> -> memref<624x128xf32, #tpu.memory_space<vmem_shared>>
      tpu.enqueue_dma source(%dma_start3A_44 : memref<624x128xf32, #tpu.memory_space<vmem_shared>>) target(%dma_start3A_42 : memref<624x128xf32, #tpu.memory_space<hbm>>) target_semaphore(%run_scoped3A_39 : memref<!tpu.dma_semaphore, #tpu.memory_space<semaphore_mem>>)
      %dma_wait3A_45 = arith.constant 0 : i32
      %dma_wait3A_46 = tpu.memref_slice %arg6[%arg0, %mul3A_33, %dma_wait3A_45] : memref<2x10000x128xf32, #tpu.memory_space<hbm>> -> memref<1x624x128xf32, #tpu.memory_space<hbm>>
      %dma_wait3A_47 = tpu.memref_squeeze %dma_wait3A_46 : memref<1x624x128xf32, #tpu.memory_space<hbm>> -> memref<624x128xf32, #tpu.memory_space<hbm>>
      %dma_wait3A_48 = arith.constant 0 : i32
      %dma_wait3A_49 = tpu.memref_slice %arg11[%mul3A_31, %dma_wait3A_48] : memref<10008x128xf32, #tpu.memory_space<vmem_shared>> -> memref<624x128xf32, #tpu.memory_space<vmem_shared>>
      tpu.wait_dma2 semaphore(%run_scoped3A_39 : memref<!tpu.dma_semaphore, #tpu.memory_space<semaphore_mem>>) src(%dma_wait3A_49 : memref<624x128xf32, #tpu.memory_space<vmem_shared>>) dst(%dma_wait3A_47 : memref<624x128xf32, #tpu.memory_space<hbm>>)
      tpu.yield
    }) : () -> ()
    %eq3A_34 = arith.constant 0 : i32
    %eq3A_35 = arith.cmpi eq, %arg1, %eq3A_34 : i32
    %convert_element_type3A_36 = arith.extui %eq3A_35 : i1 to i32
    %cond3A_37 = arith.constant 0 : i32
    %cond3A_38 = arith.cmpi ne, %convert_element_type3A_36, %cond3A_37 : i32
    scf.if %cond3A_38 {
      "tpu.region"() ({
        %run_scoped3A_39 = tpu.sem_alloc : memref<!tpu.dma_semaphore, #tpu.memory_space<semaphore_mem>>
        %dma_start3A_40 = arith.constant 9984 : i32
        %dma_start3A_41 = arith.constant 0 : i32
        %dma_start3A_42 = tpu.memref_slice %arg6[%arg0, %dma_start3A_40, %dma_start3A_41] : memref<2x10000x128xf32, #tpu.memory_space<hbm>> -> memref<1x16x128xf32, #tpu.memory_space<hbm>>
        %dma_start3A_43 = tpu.memref_squeeze %dma_start3A_42 : memref<1x16x128xf32, #tpu.memory_space<hbm>> -> memref<16x128xf32, #tpu.memory_space<hbm>>
        %dma_start3A_44 = arith.constant 9984 : i32
        %dma_start3A_45 = arith.constant 0 : i32
        %dma_start3A_46 = tpu.memref_slice %arg11[%dma_start3A_44, %dma_start3A_45] : memref<10008x128xf32, #tpu.memory_space<vmem_shared>> -> memref<16x128xf32, #tpu.memory_space<vmem_shared>>
        tpu.enqueue_dma source(%dma_start3A_46 : memref<16x128xf32, #tpu.memory_space<vmem_shared>>) target(%dma_start3A_43 : memref<16x128xf32, #tpu.memory_space<hbm>>) target_semaphore(%run_scoped3A_39 : memref<!tpu.dma_semaphore, #tpu.memory_space<semaphore_mem>>)
        %dma_wait3A_47 = arith.constant 9984 : i32
        %dma_wait3A_48 = arith.constant 0 : i32
        %dma_wait3A_49 = tpu.memref_slice %arg6[%arg0, %dma_wait3A_47, %dma_wait3A_48] : memref<2x10000x128xf32, #tpu.memory_space<hbm>> -> memref<1x16x128xf32, #tpu.memory_space<hbm>>
        %dma_wait3A_50 = tpu.memref_squeeze %dma_wait3A_49 : memref<1x16x128xf32, #tpu.memory_space<hbm>> -> memref<16x128xf32, #tpu.memory_space<hbm>>
        %dma_wait3A_51 = arith.constant 9984 : i32
        %dma_wait3A_52 = arith.constant 0 : i32
        %dma_wait3A_53 = tpu.memref_slice %arg11[%dma_wait3A_51, %dma_wait3A_52] : memref<10008x128xf32, #tpu.memory_space<vmem_shared>> -> memref<16x128xf32, #tpu.memory_space<vmem_shared>>
        tpu.wait_dma2 semaphore(%run_scoped3A_39 : memref<!tpu.dma_semaphore, #tpu.memory_space<semaphore_mem>>) src(%dma_wait3A_53 : memref<16x128xf32, #tpu.memory_space<vmem_shared>>) dst(%dma_wait3A_50 : memref<16x128xf32, #tpu.memory_space<hbm>>)
        tpu.yield
      }) : () -> ()
    } else {
    }
    return
  }
}

#map = affine_map<(d0, d1) -> (0, 0)>
#map1 = affine_map<(d0, d1) -> (0, 0, 0)>
module attributes {stable_mosaic.version = 14 : i64} {
  func.func @agg(%arg0: i32, %arg1: i32, %arg2: memref<10000x128xf32, #tpu.memory_space<hbm>>, %arg3: memref<32x10080xi32, #tpu.memory_space<hbm>>, %arg4: memref<32x126x80xi32, #tpu.memory_space<hbm>>, %arg5: memref<624x128xf32, #tpu.memory_space<hbm>>, %arg6: memref<2x10000x128xf32, #tpu.memory_space<hbm>>, %arg7: memref<10080xi32, #tpu.memory_space<vmem>>, %arg8: memref<126x80xi32, #tpu.memory_space<vmem>>, %arg9: memref<80x128xf32, #tpu.memory_space<vmem>>, %arg10: memref<80x128xf32, #tpu.memory_space<vmem>>, %arg11: memref<10008x128xf32, #tpu.memory_space<vmem_shared>>, %arg12: memref<!tpu.dma_semaphore, #tpu.memory_space<semaphore_mem>>, %arg13: memref<!tpu.dma_semaphore, #tpu.memory_space<semaphore_mem>>) attributes {dimension_semantics = [#tpu.dimension_semantics<core_parallel>, #tpu.dimension_semantics<subcore_parallel>], iteration_bounds = array<i64: 2, 16>, scalar_prefetch = 0 : i64, scratch_operands = 7 : i64, tpu.core_type = #tpu.core_type<sc_vector_subcore>, window_params = [{transform_indices = #map}, {transform_indices = #map}, {transform_indices = #map1}, {transform_indices = #map}, {transform_indices = #map1}]} {
    %mul3A = arith.constant 16 : i32
    %mul3A_0 = arith.muli %arg0, %mul3A : i32
    %add3A = arith.addi %mul3A_0, %arg1 : i32
    "tpu.region"() ({
      %run_scoped3A_39 = tpu.sem_alloc : memref<!tpu.dma_semaphore, #tpu.memory_space<semaphore_mem>>
      %dma_start3A_40 = arith.constant 0 : i32
      %dma_start3A_41 = tpu.memref_slice %arg3[%add3A, %dma_start3A_40] : memref<32x10080xi32, #tpu.memory_space<hbm>> -> memref<1x10080xi32, #tpu.memory_space<hbm>>
      %dma_start3A_42 = tpu.memref_squeeze %dma_start3A_41 : memref<1x10080xi32, #tpu.memory_space<hbm>> -> memref<10080xi32, #tpu.memory_space<hbm>>
      %dma_start3A_43 = arith.constant 0 : i32
      %dma_start3A_44 = tpu.memref_slice %arg3[%add3A, %dma_start3A_43] : memref<32x10080xi32, #tpu.memory_space<hbm>> -> memref<1x10080xi32, #tpu.memory_space<hbm>>
      %dma_start3A_45 = tpu.memref_squeeze %dma_start3A_44 : memref<1x10080xi32, #tpu.memory_space<hbm>> -> memref<10080xi32, #tpu.memory_space<hbm>>
      tpu.enqueue_dma source(%dma_start3A_45 : memref<10080xi32, #tpu.memory_space<hbm>>) target(%arg7 : memref<10080xi32, #tpu.memory_space<vmem>>) target_semaphore(%run_scoped3A_39 : memref<!tpu.dma_semaphore, #tpu.memory_space<semaphore_mem>>)
      %dma_wait3A_46 = arith.constant 0 : i32
      %dma_wait3A_47 = tpu.memref_slice %arg3[%add3A, %dma_wait3A_46] : memref<32x10080xi32, #tpu.memory_space<hbm>> -> memref<1x10080xi32, #tpu.memory_space<hbm>>
      %dma_wait3A_48 = tpu.memref_squeeze %dma_wait3A_47 : memref<1x10080xi32, #tpu.memory_space<hbm>> -> memref<10080xi32, #tpu.memory_space<hbm>>
      %dma_wait3A_49 = arith.constant 0 : i32
      %dma_wait3A_50 = tpu.memref_slice %arg3[%add3A, %dma_wait3A_49] : memref<32x10080xi32, #tpu.memory_space<hbm>> -> memref<1x10080xi32, #tpu.memory_space<hbm>>
      %dma_wait3A_51 = tpu.memref_squeeze %dma_wait3A_50 : memref<1x10080xi32, #tpu.memory_space<hbm>> -> memref<10080xi32, #tpu.memory_space<hbm>>
      tpu.wait_dma2 semaphore(%run_scoped3A_39 : memref<!tpu.dma_semaphore, #tpu.memory_space<semaphore_mem>>) src(%dma_wait3A_51 : memref<10080xi32, #tpu.memory_space<hbm>>) dst(%arg7 : memref<10080xi32, #tpu.memory_space<vmem>>)
      tpu.yield
    }) : () -> ()
    "tpu.region"() ({
      %run_scoped3A_39 = tpu.sem_alloc : memref<!tpu.dma_semaphore, #tpu.memory_space<semaphore_mem>>
      %dma_start3A_40 = arith.constant 0 : i32
      %dma_start3A_41 = arith.constant 0 : i32
      %dma_start3A_42 = tpu.memref_slice %arg4[%add3A, %dma_start3A_40, %dma_start3A_41] : memref<32x126x80xi32, #tpu.memory_space<hbm>> -> memref<1x126x80xi32, #tpu.memory_space<hbm>>
      %dma_start3A_43 = tpu.memref_squeeze %dma_start3A_42 : memref<1x126x80xi32, #tpu.memory_space<hbm>> -> memref<126x80xi32, #tpu.memory_space<hbm>>
      %dma_start3A_44 = arith.constant 0 : i32
      %dma_start3A_45 = arith.constant 0 : i32
      %dma_start3A_46 = tpu.memref_slice %arg4[%add3A, %dma_start3A_44, %dma_start3A_45] : memref<32x126x80xi32, #tpu.memory_space<hbm>> -> memref<1x126x80xi32, #tpu.memory_space<hbm>>
      %dma_start3A_47 = tpu.memref_squeeze %dma_start3A_46 : memref<1x126x80xi32, #tpu.memory_space<hbm>> -> memref<126x80xi32, #tpu.memory_space<hbm>>
      tpu.enqueue_dma source(%dma_start3A_47 : memref<126x80xi32, #tpu.memory_space<hbm>>) target(%arg8 : memref<126x80xi32, #tpu.memory_space<vmem>>) target_semaphore(%run_scoped3A_39 : memref<!tpu.dma_semaphore, #tpu.memory_space<semaphore_mem>>)
      %dma_wait3A_48 = arith.constant 0 : i32
      %dma_wait3A_49 = arith.constant 0 : i32
      %dma_wait3A_50 = tpu.memref_slice %arg4[%add3A, %dma_wait3A_48, %dma_wait3A_49] : memref<32x126x80xi32, #tpu.memory_space<hbm>> -> memref<1x126x80xi32, #tpu.memory_space<hbm>>
      %dma_wait3A_51 = tpu.memref_squeeze %dma_wait3A_50 : memref<1x126x80xi32, #tpu.memory_space<hbm>> -> memref<126x80xi32, #tpu.memory_space<hbm>>
      %dma_wait3A_52 = arith.constant 0 : i32
      %dma_wait3A_53 = arith.constant 0 : i32
      %dma_wait3A_54 = tpu.memref_slice %arg4[%add3A, %dma_wait3A_52, %dma_wait3A_53] : memref<32x126x80xi32, #tpu.memory_space<hbm>> -> memref<1x126x80xi32, #tpu.memory_space<hbm>>
      %dma_wait3A_55 = tpu.memref_squeeze %dma_wait3A_54 : memref<1x126x80xi32, #tpu.memory_space<hbm>> -> memref<126x80xi32, #tpu.memory_space<hbm>>
      tpu.wait_dma2 semaphore(%run_scoped3A_39 : memref<!tpu.dma_semaphore, #tpu.memory_space<semaphore_mem>>) src(%dma_wait3A_55 : memref<126x80xi32, #tpu.memory_space<hbm>>) dst(%arg8 : memref<126x80xi32, #tpu.memory_space<vmem>>)
      tpu.yield
    }) : () -> ()
    %mul3A_1 = arith.constant 624 : i32
    %mul3A_2 = arith.muli %arg1, %mul3A_1 : i32
    "tpu.region"() ({
      %run_scoped3A_39 = tpu.sem_alloc : memref<!tpu.dma_semaphore, #tpu.memory_space<semaphore_mem>>
      %dma_start3A_40 = arith.constant 0 : i32
      %dma_start3A_41 = tpu.memref_slice %arg11[%mul3A_2, %dma_start3A_40] : memref<10008x128xf32, #tpu.memory_space<vmem_shared>> -> memref<624x128xf32, #tpu.memory_space<vmem_shared>>
      tpu.enqueue_dma source(%arg5 : memref<624x128xf32, #tpu.memory_space<hbm>>) target(%dma_start3A_41 : memref<624x128xf32, #tpu.memory_space<vmem_shared>>) target_semaphore(%run_scoped3A_39 : memref<!tpu.dma_semaphore, #tpu.memory_space<semaphore_mem>>)
      %dma_wait3A_42 = arith.constant 0 : i32
      %dma_wait3A_43 = tpu.memref_slice %arg11[%mul3A_2, %dma_wait3A_42] : memref<10008x128xf32, #tpu.memory_space<vmem_shared>> -> memref<624x128xf32, #tpu.memory_space<vmem_shared>>
      tpu.wait_dma2 semaphore(%run_scoped3A_39 : memref<!tpu.dma_semaphore, #tpu.memory_space<semaphore_mem>>) src(%arg5 : memref<624x128xf32, #tpu.memory_space<hbm>>) dst(%dma_wait3A_43 : memref<624x128xf32, #tpu.memory_space<vmem_shared>>)
      tpu.yield
    }) : () -> ()
    %eq3A = arith.constant 0 : i32
    %eq3A_3 = arith.cmpi eq, %arg1, %eq3A : i32
    %convert_element_type3A = arith.extui %eq3A_3 : i1 to i32
    %cond3A = arith.constant 0 : i32
    %cond3A_4 = arith.cmpi ne, %convert_element_type3A, %cond3A : i32
    scf.if %cond3A_4 {
      "tpu.region"() ({
        %run_scoped3A_39 = tpu.sem_alloc : memref<!tpu.dma_semaphore, #tpu.memory_space<semaphore_mem>>
        %dma_start3A_40 = arith.constant 9984 : i32
        %dma_start3A_41 = arith.constant 0 : i32
        %dma_start3A_42 = tpu.memref_slice %arg11[%dma_start3A_40, %dma_start3A_41] : memref<10008x128xf32, #tpu.memory_space<vmem_shared>> -> memref<16x128xf32, #tpu.memory_space<vmem_shared>>
        %dma_start3A_43 = arith.constant 0 : i32
        %dma_start3A_44 = arith.constant 0 : i32
        %dma_start3A_45 = tpu.memref_slice %arg5[%dma_start3A_43, %dma_start3A_44] : memref<624x128xf32, #tpu.memory_space<hbm>> -> memref<16x128xf32, #tpu.memory_space<hbm>>
        tpu.enqueue_dma source(%dma_start3A_45 : memref<16x128xf32, #tpu.memory_space<hbm>>) target(%dma_start3A_42 : memref<16x128xf32, #tpu.memory_space<vmem_shared>>) target_semaphore(%run_scoped3A_39 : memref<!tpu.dma_semaphore, #tpu.memory_space<semaphore_mem>>)
        %dma_wait3A_46 = arith.constant 9984 : i32
        %dma_wait3A_47 = arith.constant 0 : i32
        %dma_wait3A_48 = tpu.memref_slice %arg11[%dma_wait3A_46, %dma_wait3A_47] : memref<10008x128xf32, #tpu.memory_space<vmem_shared>> -> memref<16x128xf32, #tpu.memory_space<vmem_shared>>
        %dma_wait3A_49 = arith.constant 0 : i32
        %dma_wait3A_50 = arith.constant 0 : i32
        %dma_wait3A_51 = tpu.memref_slice %arg5[%dma_wait3A_49, %dma_wait3A_50] : memref<624x128xf32, #tpu.memory_space<hbm>> -> memref<16x128xf32, #tpu.memory_space<hbm>>
        tpu.wait_dma2 semaphore(%run_scoped3A_39 : memref<!tpu.dma_semaphore, #tpu.memory_space<semaphore_mem>>) src(%dma_wait3A_51 : memref<16x128xf32, #tpu.memory_space<hbm>>) dst(%dma_wait3A_48 : memref<16x128xf32, #tpu.memory_space<vmem_shared>>)
        tpu.yield
      }) : () -> ()
    } else {
    }
    %barrier3A = arith.constant 0 : index
    tpu.barrier barrier_id(%barrier3A)
    %dma_start3A = arith.constant 0 : i32
    %dma_start3A_5 = tpu.memref_slice %arg7[%dma_start3A] : memref<10080xi32, #tpu.memory_space<vmem>> -> memref<80xi32, #tpu.memory_space<vmem>>
    %dma_start3A_6 = arith.constant 0 : i32
    %dma_start3A_7 = arith.constant 0 : i32
    %dma_start3A_8 = tpu.memref_slice %arg2[%dma_start3A_6, %dma_start3A_7] : memref<10000x128xf32, #tpu.memory_space<hbm>> -> memref<10000x128xf32, #tpu.memory_space<hbm>>
    tpu.enqueue_indirect_dma source(%dma_start3A_8 : memref<10000x128xf32, #tpu.memory_space<hbm>>) target(%arg9 : memref<80x128xf32, #tpu.memory_space<vmem>>) offsets(%dma_start3A_5 : memref<80xi32, #tpu.memory_space<vmem>>) semaphore(%arg12 : memref<!tpu.dma_semaphore, #tpu.memory_space<semaphore_mem>>)
    %scan3A = arith.constant 0 : i32
    %scan3A_9 = arith.constant 0 : i32
    %scan3A_10 = arith.constant 62 : i32
    %scan3A_11 = arith.addi %scan3A_9, %scan3A_10 : i32
    %scan3A_12 = arith.constant 1 : i32
    scf.for %scan3A_39 = %scan3A_9 to %scan3A_11 step %scan3A_12  : i32 {
      %mul3A_40 = arith.constant 2 : i32
      %mul3A_41 = arith.muli %mul3A_40, %scan3A_39 : i32
      %add3A_42 = arith.constant 1 : i32
      %add3A_43 = arith.addi %mul3A_41, %add3A_42 : i32
      %mul3A_44 = arith.constant 80 : i32
      %mul3A_45 = arith.muli %add3A_43, %mul3A_44 : i32
      %dma_start3A_46 = tpu.memref_slice %arg7[%mul3A_45] : memref<10080xi32, #tpu.memory_space<vmem>> -> memref<80xi32, #tpu.memory_space<vmem>>
      %dma_start3A_47 = arith.constant 0 : i32
      %dma_start3A_48 = arith.constant 0 : i32
      %dma_start3A_49 = tpu.memref_slice %arg2[%dma_start3A_47, %dma_start3A_48] : memref<10000x128xf32, #tpu.memory_space<hbm>> -> memref<10000x128xf32, #tpu.memory_space<hbm>>
      tpu.enqueue_indirect_dma source(%dma_start3A_49 : memref<10000x128xf32, #tpu.memory_space<hbm>>) target(%arg10 : memref<80x128xf32, #tpu.memory_space<vmem>>) offsets(%dma_start3A_46 : memref<80xi32, #tpu.memory_space<vmem>>) semaphore(%arg13 : memref<!tpu.dma_semaphore, #tpu.memory_space<semaphore_mem>>)
      %mul3A_50 = arith.constant 80 : i32
      %mul3A_51 = arith.muli %mul3A_41, %mul3A_50 : i32
      %dma_wait3A_52 = tpu.memref_slice %arg7[%mul3A_51] : memref<10080xi32, #tpu.memory_space<vmem>> -> memref<80xi32, #tpu.memory_space<vmem>>
      %dma_wait3A_53 = arith.constant 0 : i32
      %dma_wait3A_54 = arith.constant 0 : i32
      %dma_wait3A_55 = tpu.memref_slice %arg2[%dma_wait3A_53, %dma_wait3A_54] : memref<10000x128xf32, #tpu.memory_space<hbm>> -> memref<10000x128xf32, #tpu.memory_space<hbm>>
      tpu.wait_indirect_dma semaphore(%arg12 : memref<!tpu.dma_semaphore, #tpu.memory_space<semaphore_mem>>) src(%dma_wait3A_55 : memref<10000x128xf32, #tpu.memory_space<hbm>>) dst(%arg9 : memref<80x128xf32, #tpu.memory_space<vmem>>)
      "tpu.region"() ({
        %run_scoped3A_74 = tpu.sem_alloc : memref<!tpu.dma_semaphore, #tpu.memory_space<semaphore_mem>>
        %dma_start3A_75 = arith.constant 0 : i32
        %dma_start3A_76 = tpu.memref_slice %arg8[%mul3A_41, %dma_start3A_75] : memref<126x80xi32, #tpu.memory_space<vmem>> -> memref<1x80xi32, #tpu.memory_space<vmem>>
        %dma_start3A_77 = tpu.memref_squeeze %dma_start3A_76 : memref<1x80xi32, #tpu.memory_space<vmem>> -> memref<80xi32, #tpu.memory_space<vmem>>
        %dma_start3A_78 = arith.constant 0 : i32
        %dma_start3A_79 = arith.constant 0 : i32
        %dma_start3A_80 = tpu.memref_slice %arg11[%dma_start3A_78, %dma_start3A_79] : memref<10008x128xf32, #tpu.memory_space<vmem_shared>> -> memref<10008x128xf32, #tpu.memory_space<vmem_shared>>
        tpu.enqueue_indirect_dma source(%arg9 : memref<80x128xf32, #tpu.memory_space<vmem>>) target(%dma_start3A_80 : memref<10008x128xf32, #tpu.memory_space<vmem_shared>>) offsets(%dma_start3A_77 : memref<80xi32, #tpu.memory_space<vmem>>) semaphore(%run_scoped3A_74 : memref<!tpu.dma_semaphore, #tpu.memory_space<semaphore_mem>>) {add = true}
        %dma_wait3A_81 = arith.constant 0 : i32
        %dma_wait3A_82 = tpu.memref_slice %arg8[%mul3A_41, %dma_wait3A_81] : memref<126x80xi32, #tpu.memory_space<vmem>> -> memref<1x80xi32, #tpu.memory_space<vmem>>
        %dma_wait3A_83 = tpu.memref_squeeze %dma_wait3A_82 : memref<1x80xi32, #tpu.memory_space<vmem>> -> memref<80xi32, #tpu.memory_space<vmem>>
        %dma_wait3A_84 = arith.constant 0 : i32
        %dma_wait3A_85 = arith.constant 0 : i32
        %dma_wait3A_86 = tpu.memref_slice %arg11[%dma_wait3A_84, %dma_wait3A_85] : memref<10008x128xf32, #tpu.memory_space<vmem_shared>> -> memref<10008x128xf32, #tpu.memory_space<vmem_shared>>
        tpu.wait_indirect_dma semaphore(%run_scoped3A_74 : memref<!tpu.dma_semaphore, #tpu.memory_space<semaphore_mem>>) src(%arg9 : memref<80x128xf32, #tpu.memory_space<vmem>>) dst(%dma_wait3A_86 : memref<10008x128xf32, #tpu.memory_space<vmem_shared>>)
        tpu.yield
      }) : () -> ()
      %add3A_56 = arith.constant 2 : i32
      %add3A_57 = arith.addi %mul3A_41, %add3A_56 : i32
      %mul3A_58 = arith.constant 80 : i32
      %mul3A_59 = arith.muli %add3A_57, %mul3A_58 : i32
      %dma_start3A_60 = tpu.memref_slice %arg7[%mul3A_59] : memref<10080xi32, #tpu.memory_space<vmem>> -> memref<80xi32, #tpu.memory_space<vmem>>
      %dma_start3A_61 = arith.constant 0 : i32
      %dma_start3A_62 = arith.constant 0 : i32
      %dma_start3A_63 = tpu.memref_slice %arg2[%dma_start3A_61, %dma_start3A_62] : memref<10000x128xf32, #tpu.memory_space<hbm>> -> memref<10000x128xf32, #tpu.memory_space<hbm>>
      tpu.enqueue_indirect_dma source(%dma_start3A_63 : memref<10000x128xf32, #tpu.memory_space<hbm>>) target(%arg9 : memref<80x128xf32, #tpu.memory_space<vmem>>) offsets(%dma_start3A_60 : memref<80xi32, #tpu.memory_space<vmem>>) semaphore(%arg12 : memref<!tpu.dma_semaphore, #tpu.memory_space<semaphore_mem>>)
      %add3A_64 = arith.constant 1 : i32
      %add3A_65 = arith.addi %mul3A_41, %add3A_64 : i32
      %mul3A_66 = arith.constant 80 : i32
      %mul3A_67 = arith.muli %add3A_65, %mul3A_66 : i32
      %dma_wait3A_68 = tpu.memref_slice %arg7[%mul3A_67] : memref<10080xi32, #tpu.memory_space<vmem>> -> memref<80xi32, #tpu.memory_space<vmem>>
      %dma_wait3A_69 = arith.constant 0 : i32
      %dma_wait3A_70 = arith.constant 0 : i32
      %dma_wait3A_71 = tpu.memref_slice %arg2[%dma_wait3A_69, %dma_wait3A_70] : memref<10000x128xf32, #tpu.memory_space<hbm>> -> memref<10000x128xf32, #tpu.memory_space<hbm>>
      tpu.wait_indirect_dma semaphore(%arg13 : memref<!tpu.dma_semaphore, #tpu.memory_space<semaphore_mem>>) src(%dma_wait3A_71 : memref<10000x128xf32, #tpu.memory_space<hbm>>) dst(%arg10 : memref<80x128xf32, #tpu.memory_space<vmem>>)
      %add3A_72 = arith.constant 1 : i32
      %add3A_73 = arith.addi %mul3A_41, %add3A_72 : i32
      "tpu.region"() ({
        %run_scoped3A_74 = tpu.sem_alloc : memref<!tpu.dma_semaphore, #tpu.memory_space<semaphore_mem>>
        %dma_start3A_75 = arith.constant 0 : i32
        %dma_start3A_76 = tpu.memref_slice %arg8[%add3A_73, %dma_start3A_75] : memref<126x80xi32, #tpu.memory_space<vmem>> -> memref<1x80xi32, #tpu.memory_space<vmem>>
        %dma_start3A_77 = tpu.memref_squeeze %dma_start3A_76 : memref<1x80xi32, #tpu.memory_space<vmem>> -> memref<80xi32, #tpu.memory_space<vmem>>
        %dma_start3A_78 = arith.constant 0 : i32
        %dma_start3A_79 = arith.constant 0 : i32
        %dma_start3A_80 = tpu.memref_slice %arg11[%dma_start3A_78, %dma_start3A_79] : memref<10008x128xf32, #tpu.memory_space<vmem_shared>> -> memref<10008x128xf32, #tpu.memory_space<vmem_shared>>
        tpu.enqueue_indirect_dma source(%arg10 : memref<80x128xf32, #tpu.memory_space<vmem>>) target(%dma_start3A_80 : memref<10008x128xf32, #tpu.memory_space<vmem_shared>>) offsets(%dma_start3A_77 : memref<80xi32, #tpu.memory_space<vmem>>) semaphore(%run_scoped3A_74 : memref<!tpu.dma_semaphore, #tpu.memory_space<semaphore_mem>>) {add = true}
        %dma_wait3A_81 = arith.constant 0 : i32
        %dma_wait3A_82 = tpu.memref_slice %arg8[%add3A_73, %dma_wait3A_81] : memref<126x80xi32, #tpu.memory_space<vmem>> -> memref<1x80xi32, #tpu.memory_space<vmem>>
        %dma_wait3A_83 = tpu.memref_squeeze %dma_wait3A_82 : memref<1x80xi32, #tpu.memory_space<vmem>> -> memref<80xi32, #tpu.memory_space<vmem>>
        %dma_wait3A_84 = arith.constant 0 : i32
        %dma_wait3A_85 = arith.constant 0 : i32
        %dma_wait3A_86 = tpu.memref_slice %arg11[%dma_wait3A_84, %dma_wait3A_85] : memref<10008x128xf32, #tpu.memory_space<vmem_shared>> -> memref<10008x128xf32, #tpu.memory_space<vmem_shared>>
        tpu.wait_indirect_dma semaphore(%run_scoped3A_74 : memref<!tpu.dma_semaphore, #tpu.memory_space<semaphore_mem>>) src(%arg10 : memref<80x128xf32, #tpu.memory_space<vmem>>) dst(%dma_wait3A_86 : memref<10008x128xf32, #tpu.memory_space<vmem_shared>>)
        tpu.yield
      }) : () -> ()
    }
    %scan3A_13 = arith.constant 62 : i32
    %dma_start3A_14 = arith.constant 10000 : i32
    %dma_start3A_15 = tpu.memref_slice %arg7[%dma_start3A_14] : memref<10080xi32, #tpu.memory_space<vmem>> -> memref<80xi32, #tpu.memory_space<vmem>>
    %dma_start3A_16 = arith.constant 0 : i32
    %dma_start3A_17 = arith.constant 0 : i32
    %dma_start3A_18 = tpu.memref_slice %arg2[%dma_start3A_16, %dma_start3A_17] : memref<10000x128xf32, #tpu.memory_space<hbm>> -> memref<10000x128xf32, #tpu.memory_space<hbm>>
    tpu.enqueue_indirect_dma source(%dma_start3A_18 : memref<10000x128xf32, #tpu.memory_space<hbm>>) target(%arg10 : memref<80x128xf32, #tpu.memory_space<vmem>>) offsets(%dma_start3A_15 : memref<80xi32, #tpu.memory_space<vmem>>) semaphore(%arg13 : memref<!tpu.dma_semaphore, #tpu.memory_space<semaphore_mem>>)
    %dma_wait3A = arith.constant 9920 : i32
    %dma_wait3A_19 = tpu.memref_slice %arg7[%dma_wait3A] : memref<10080xi32, #tpu.memory_space<vmem>> -> memref<80xi32, #tpu.memory_space<vmem>>
    %dma_wait3A_20 = arith.constant 0 : i32
    %dma_wait3A_21 = arith.constant 0 : i32
    %dma_wait3A_22 = tpu.memref_slice %arg2[%dma_wait3A_20, %dma_wait3A_21] : memref<10000x128xf32, #tpu.memory_space<hbm>> -> memref<10000x128xf32, #tpu.memory_space<hbm>>
    tpu.wait_indirect_dma semaphore(%arg12 : memref<!tpu.dma_semaphore, #tpu.memory_space<semaphore_mem>>) src(%dma_wait3A_22 : memref<10000x128xf32, #tpu.memory_space<hbm>>) dst(%arg9 : memref<80x128xf32, #tpu.memory_space<vmem>>)
    %run_scoped3A = arith.constant 124 : i32
    "tpu.region"() ({
      %run_scoped3A_39 = tpu.sem_alloc : memref<!tpu.dma_semaphore, #tpu.memory_space<semaphore_mem>>
      %dma_start3A_40 = arith.constant 0 : i32
      %dma_start3A_41 = tpu.memref_slice %arg8[%run_scoped3A, %dma_start3A_40] : memref<126x80xi32, #tpu.memory_space<vmem>> -> memref<1x80xi32, #tpu.memory_space<vmem>>
      %dma_start3A_42 = tpu.memref_squeeze %dma_start3A_41 : memref<1x80xi32, #tpu.memory_space<vmem>> -> memref<80xi32, #tpu.memory_space<vmem>>
      %dma_start3A_43 = arith.constant 0 : i32
      %dma_start3A_44 = arith.constant 0 : i32
      %dma_start3A_45 = tpu.memref_slice %arg11[%dma_start3A_43, %dma_start3A_44] : memref<10008x128xf32, #tpu.memory_space<vmem_shared>> -> memref<10008x128xf32, #tpu.memory_space<vmem_shared>>
      tpu.enqueue_indirect_dma source(%arg9 : memref<80x128xf32, #tpu.memory_space<vmem>>) target(%dma_start3A_45 : memref<10008x128xf32, #tpu.memory_space<vmem_shared>>) offsets(%dma_start3A_42 : memref<80xi32, #tpu.memory_space<vmem>>) semaphore(%run_scoped3A_39 : memref<!tpu.dma_semaphore, #tpu.memory_space<semaphore_mem>>) {add = true}
      %dma_wait3A_46 = arith.constant 0 : i32
      %dma_wait3A_47 = tpu.memref_slice %arg8[%run_scoped3A, %dma_wait3A_46] : memref<126x80xi32, #tpu.memory_space<vmem>> -> memref<1x80xi32, #tpu.memory_space<vmem>>
      %dma_wait3A_48 = tpu.memref_squeeze %dma_wait3A_47 : memref<1x80xi32, #tpu.memory_space<vmem>> -> memref<80xi32, #tpu.memory_space<vmem>>
      %dma_wait3A_49 = arith.constant 0 : i32
      %dma_wait3A_50 = arith.constant 0 : i32
      %dma_wait3A_51 = tpu.memref_slice %arg11[%dma_wait3A_49, %dma_wait3A_50] : memref<10008x128xf32, #tpu.memory_space<vmem_shared>> -> memref<10008x128xf32, #tpu.memory_space<vmem_shared>>
      tpu.wait_indirect_dma semaphore(%run_scoped3A_39 : memref<!tpu.dma_semaphore, #tpu.memory_space<semaphore_mem>>) src(%arg9 : memref<80x128xf32, #tpu.memory_space<vmem>>) dst(%dma_wait3A_51 : memref<10008x128xf32, #tpu.memory_space<vmem_shared>>)
      tpu.yield
    }) : () -> ()
    %dma_wait3A_23 = arith.constant 10000 : i32
    %dma_wait3A_24 = tpu.memref_slice %arg7[%dma_wait3A_23] : memref<10080xi32, #tpu.memory_space<vmem>> -> memref<80xi32, #tpu.memory_space<vmem>>
    %dma_wait3A_25 = arith.constant 0 : i32
    %dma_wait3A_26 = arith.constant 0 : i32
    %dma_wait3A_27 = tpu.memref_slice %arg2[%dma_wait3A_25, %dma_wait3A_26] : memref<10000x128xf32, #tpu.memory_space<hbm>> -> memref<10000x128xf32, #tpu.memory_space<hbm>>
    tpu.wait_indirect_dma semaphore(%arg13 : memref<!tpu.dma_semaphore, #tpu.memory_space<semaphore_mem>>) src(%dma_wait3A_27 : memref<10000x128xf32, #tpu.memory_space<hbm>>) dst(%arg10 : memref<80x128xf32, #tpu.memory_space<vmem>>)
    %run_scoped3A_28 = arith.constant 125 : i32
    "tpu.region"() ({
      %run_scoped3A_39 = tpu.sem_alloc : memref<!tpu.dma_semaphore, #tpu.memory_space<semaphore_mem>>
      %dma_start3A_40 = arith.constant 0 : i32
      %dma_start3A_41 = tpu.memref_slice %arg8[%run_scoped3A_28, %dma_start3A_40] : memref<126x80xi32, #tpu.memory_space<vmem>> -> memref<1x80xi32, #tpu.memory_space<vmem>>
      %dma_start3A_42 = tpu.memref_squeeze %dma_start3A_41 : memref<1x80xi32, #tpu.memory_space<vmem>> -> memref<80xi32, #tpu.memory_space<vmem>>
      %dma_start3A_43 = arith.constant 0 : i32
      %dma_start3A_44 = arith.constant 0 : i32
      %dma_start3A_45 = tpu.memref_slice %arg11[%dma_start3A_43, %dma_start3A_44] : memref<10008x128xf32, #tpu.memory_space<vmem_shared>> -> memref<10008x128xf32, #tpu.memory_space<vmem_shared>>
      tpu.enqueue_indirect_dma source(%arg10 : memref<80x128xf32, #tpu.memory_space<vmem>>) target(%dma_start3A_45 : memref<10008x128xf32, #tpu.memory_space<vmem_shared>>) offsets(%dma_start3A_42 : memref<80xi32, #tpu.memory_space<vmem>>) semaphore(%run_scoped3A_39 : memref<!tpu.dma_semaphore, #tpu.memory_space<semaphore_mem>>) {add = true}
      %dma_wait3A_46 = arith.constant 0 : i32
      %dma_wait3A_47 = tpu.memref_slice %arg8[%run_scoped3A_28, %dma_wait3A_46] : memref<126x80xi32, #tpu.memory_space<vmem>> -> memref<1x80xi32, #tpu.memory_space<vmem>>
      %dma_wait3A_48 = tpu.memref_squeeze %dma_wait3A_47 : memref<1x80xi32, #tpu.memory_space<vmem>> -> memref<80xi32, #tpu.memory_space<vmem>>
      %dma_wait3A_49 = arith.constant 0 : i32
      %dma_wait3A_50 = arith.constant 0 : i32
      %dma_wait3A_51 = tpu.memref_slice %arg11[%dma_wait3A_49, %dma_wait3A_50] : memref<10008x128xf32, #tpu.memory_space<vmem_shared>> -> memref<10008x128xf32, #tpu.memory_space<vmem_shared>>
      tpu.wait_indirect_dma semaphore(%run_scoped3A_39 : memref<!tpu.dma_semaphore, #tpu.memory_space<semaphore_mem>>) src(%arg10 : memref<80x128xf32, #tpu.memory_space<vmem>>) dst(%dma_wait3A_51 : memref<10008x128xf32, #tpu.memory_space<vmem_shared>>)
      tpu.yield
    }) : () -> ()
    %barrier3A_29 = arith.constant 0 : index
    tpu.barrier barrier_id(%barrier3A_29)
    %mul3A_30 = arith.constant 624 : i32
    %mul3A_31 = arith.muli %arg1, %mul3A_30 : i32
    %mul3A_32 = arith.constant 624 : i32
    %mul3A_33 = arith.muli %arg1, %mul3A_32 : i32
    "tpu.region"() ({
      %run_scoped3A_39 = tpu.sem_alloc : memref<!tpu.dma_semaphore, #tpu.memory_space<semaphore_mem>>
      %dma_start3A_40 = arith.constant 0 : i32
      %dma_start3A_41 = tpu.memref_slice %arg6[%arg0, %mul3A_33, %dma_start3A_40] : memref<2x10000x128xf32, #tpu.memory_space<hbm>> -> memref<1x624x128xf32, #tpu.memory_space<hbm>>
      %dma_start3A_42 = tpu.memref_squeeze %dma_start3A_41 : memref<1x624x128xf32, #tpu.memory_space<hbm>> -> memref<624x128xf32, #tpu.memory_space<hbm>>
      %dma_start3A_43 = arith.constant 0 : i32
      %dma_start3A_44 = tpu.memref_slice %arg11[%mul3A_31, %dma_start3A_43] : memref<10008x128xf32, #tpu.memory_space<vmem_shared>> -> memref<624x128xf32, #tpu.memory_space<vmem_shared>>
      tpu.enqueue_dma source(%dma_start3A_44 : memref<624x128xf32, #tpu.memory_space<vmem_shared>>) target(%dma_start3A_42 : memref<624x128xf32, #tpu.memory_space<hbm>>) target_semaphore(%run_scoped3A_39 : memref<!tpu.dma_semaphore, #tpu.memory_space<semaphore_mem>>)
      %dma_wait3A_45 = arith.constant 0 : i32
      %dma_wait3A_46 = tpu.memref_slice %arg6[%arg0, %mul3A_33, %dma_wait3A_45] : memref<2x10000x128xf32, #tpu.memory_space<hbm>> -> memref<1x624x128xf32, #tpu.memory_space<hbm>>
      %dma_wait3A_47 = tpu.memref_squeeze %dma_wait3A_46 : memref<1x624x128xf32, #tpu.memory_space<hbm>> -> memref<624x128xf32, #tpu.memory_space<hbm>>
      %dma_wait3A_48 = arith.constant 0 : i32
      %dma_wait3A_49 = tpu.memref_slice %arg11[%mul3A_31, %dma_wait3A_48] : memref<10008x128xf32, #tpu.memory_space<vmem_shared>> -> memref<624x128xf32, #tpu.memory_space<vmem_shared>>
      tpu.wait_dma2 semaphore(%run_scoped3A_39 : memref<!tpu.dma_semaphore, #tpu.memory_space<semaphore_mem>>) src(%dma_wait3A_49 : memref<624x128xf32, #tpu.memory_space<vmem_shared>>) dst(%dma_wait3A_47 : memref<624x128xf32, #tpu.memory_space<hbm>>)
      tpu.yield
    }) : () -> ()
    %eq3A_34 = arith.constant 0 : i32
    %eq3A_35 = arith.cmpi eq, %arg1, %eq3A_34 : i32
    %convert_element_type3A_36 = arith.extui %eq3A_35 : i1 to i32
    %cond3A_37 = arith.constant 0 : i32
    %cond3A_38 = arith.cmpi ne, %convert_element_type3A_36, %cond3A_37 : i32
    scf.if %cond3A_38 {
      "tpu.region"() ({
        %run_scoped3A_39 = tpu.sem_alloc : memref<!tpu.dma_semaphore, #tpu.memory_space<semaphore_mem>>
        %dma_start3A_40 = arith.constant 9984 : i32
        %dma_start3A_41 = arith.constant 0 : i32
        %dma_start3A_42 = tpu.memref_slice %arg6[%arg0, %dma_start3A_40, %dma_start3A_41] : memref<2x10000x128xf32, #tpu.memory_space<hbm>> -> memref<1x16x128xf32, #tpu.memory_space<hbm>>
        %dma_start3A_43 = tpu.memref_squeeze %dma_start3A_42 : memref<1x16x128xf32, #tpu.memory_space<hbm>> -> memref<16x128xf32, #tpu.memory_space<hbm>>
        %dma_start3A_44 = arith.constant 9984 : i32
        %dma_start3A_45 = arith.constant 0 : i32
        %dma_start3A_46 = tpu.memref_slice %arg11[%dma_start3A_44, %dma_start3A_45] : memref<10008x128xf32, #tpu.memory_space<vmem_shared>> -> memref<16x128xf32, #tpu.memory_space<vmem_shared>>
        tpu.enqueue_dma source(%dma_start3A_46 : memref<16x128xf32, #tpu.memory_space<vmem_shared>>) target(%dma_start3A_43 : memref<16x128xf32, #tpu.memory_space<hbm>>) target_semaphore(%run_scoped3A_39 : memref<!tpu.dma_semaphore, #tpu.memory_space<semaphore_mem>>)
        %dma_wait3A_47 = arith.constant 9984 : i32
        %dma_wait3A_48 = arith.constant 0 : i32
        %dma_wait3A_49 = tpu.memref_slice %arg6[%arg0, %dma_wait3A_47, %dma_wait3A_48] : memref<2x10000x128xf32, #tpu.memory_space<hbm>> -> memref<1x16x128xf32, #tpu.memory_space<hbm>>
        %dma_wait3A_50 = tpu.memref_squeeze %dma_wait3A_49 : memref<1x16x128xf32, #tpu.memory_space<hbm>> -> memref<16x128xf32, #tpu.memory_space<hbm>>
        %dma_wait3A_51 = arith.constant 9984 : i32
        %dma_wait3A_52 = arith.constant 0 : i32
        %dma_wait3A_53 = tpu.memref_slice %arg11[%dma_wait3A_51, %dma_wait3A_52] : memref<10008x128xf32, #tpu.memory_space<vmem_shared>> -> memref<16x128xf32, #tpu.memory_space<vmem_shared>>
        tpu.wait_dma2 semaphore(%run_scoped3A_39 : memref<!tpu.dma_semaphore, #tpu.memory_space<semaphore_mem>>) src(%dma_wait3A_53 : memref<16x128xf32, #tpu.memory_space<vmem_shared>>) dst(%dma_wait3A_50 : memref<16x128xf32, #tpu.memory_space<hbm>>)
        tpu.yield
      }) : () -> ()
    } else {
    }
    return
  }
}

module attributes {stable_mosaic.version = 14 : i64} {
  func.func @body(%arg0: i32, %arg1: memref<1000x128xf32, #tpu.memory_space<vmem>>, %arg2: memref<128x128xf32, #tpu.memory_space<vmem>>, %arg3: memref<128x128xf32, #tpu.memory_space<vmem>>, %arg4: memref<1000x128xf32, #tpu.memory_space<vmem>>, %arg5: memref<1000x128xf32, #tpu.memory_space<vmem>>) attributes {dimension_semantics = [#tpu.dimension_semantics<arbitrary>], iteration_bounds = array<i64: 10>, scalar_prefetch = 0 : i64, scratch_operands = 0 : i64, tpu.core_type = #tpu.core_type<tc>, window_params = [{transform_indices = @transform_0, window_bounds = array<i64: 1000, 128>}, {pipeline_mode = #tpu.pipeline_mode<synchronous>, transform_indices = @transform_1, window_bounds = array<i64: 128, 128>}, {pipeline_mode = #tpu.pipeline_mode<synchronous>, transform_indices = @transform_2, window_bounds = array<i64: 128, 128>}, {transform_indices = @transform_3, window_bounds = array<i64: 1000, 128>}, {transform_indices = @transform_4, window_bounds = array<i64: 1000, 128>}]} {
    %get3A = arith.constant 0 : index
    %get3A_0 = arith.constant 0 : index
    %get3A_1 = vector.load %arg1[%get3A, %get3A_0] : memref<1000x128xf32, #tpu.memory_space<vmem>>, vector<1000x128xf32>
    %get3A_2 = arith.constant 0 : index
    %get3A_3 = arith.constant 0 : index
    %get3A_4 = vector.load %arg2[%get3A_2, %get3A_3] : memref<128x128xf32, #tpu.memory_space<vmem>>, vector<128x128xf32>
    %dot_general3A = arith.constant dense<0.000000e+00> : vector<1000x128xf32>
    %dot_general3A_5 = tpu.matmul %get3A_1, %get3A_4, %dot_general3A {dimension_numbers = #tpu.dot_dimension_numbers<[1], [0], [0], [1], [0, 0, 1, 1], [], []>, transpose_lhs_hint = false} : vector<1000x128xf32>, vector<128x128xf32>, vector<1000x128xf32> -> vector<1000x128xf32>
    %swap3A = arith.constant 0 : index
    %swap3A_6 = arith.constant 0 : index
    %swap3A_7 = vector.load %arg4[%swap3A, %swap3A_6] : memref<1000x128xf32, #tpu.memory_space<vmem>>, vector<1000x128xf32>
    tpu.vector_store %arg4[%swap3A, %swap3A_6], %dot_general3A_5 {strides = array<i32>} : memref<1000x128xf32, #tpu.memory_space<vmem>>, vector<1000x128xf32>,
    %get3A_8 = arith.constant 0 : index
    %get3A_9 = arith.constant 0 : index
    %get3A_10 = vector.load %arg3[%get3A_8, %get3A_9] : memref<128x128xf32, #tpu.memory_space<vmem>>, vector<128x128xf32>
    %dot_general3A_11 = arith.constant dense<0.000000e+00> : vector<1000x128xf32>
    %dot_general3A_12 = tpu.matmul %dot_general3A_5, %get3A_10, %dot_general3A_11 {dimension_numbers = #tpu.dot_dimension_numbers<[1], [0], [0], [1], [0, 0, 1, 1], [], []>, transpose_lhs_hint = false} : vector<1000x128xf32>, vector<128x128xf32>, vector<1000x128xf32> -> vector<1000x128xf32>
    %convert_element_type3A = arith.truncf %dot_general3A_12 : vector<1000x128xf32> to vector<1000x128xbf16>
    %convert_element_type3A_13 = arith.extf %convert_element_type3A : vector<1000x128xbf16> to vector<1000x128xf32>
    %swap3A_14 = arith.constant 0 : index
    %swap3A_15 = arith.constant 0 : index
    %swap3A_16 = vector.load %arg5[%swap3A_14, %swap3A_15] : memref<1000x128xf32, #tpu.memory_space<vmem>>, vector<1000x128xf32>
    tpu.vector_store %arg5[%swap3A_14, %swap3A_15], %convert_element_type3A_13 {strides = array<i32>} : memref<1000x128xf32, #tpu.memory_space<vmem>>, vector<1000x128xf32>,
    return
  }
  func.func @transform_0(%arg0: i32) -> (i32, i32) {
    %c0_i32 = arith.constant 0 : i32
    %c0_i32_0 = arith.constant 0 : i32
    return %arg0, %c0_i32 : i32, i32
  }
  func.func @transform_1(%arg0: i32) -> (i32, i32) {
    %c0_i32 = arith.constant 0 : i32
    %c0_i32_0 = arith.constant 0 : i32
    %c0_i32_1 = arith.constant 0 : i32
    return %c0_i32, %c0_i32_0 : i32, i32
  }
  func.func @transform_2(%arg0: i32) -> (i32, i32) {
    %c0_i32 = arith.constant 0 : i32
    %c0_i32_0 = arith.constant 0 : i32
    %c0_i32_1 = arith.constant 0 : i32
    return %c0_i32, %c0_i32_0 : i32, i32
  }
  func.func @transform_3(%arg0: i32) -> (i32, i32) {
    %c0_i32 = arith.constant 0 : i32
    %c0_i32_0 = arith.constant 0 : i32
    return %arg0, %c0_i32 : i32, i32
  }
  func.func @transform_4(%arg0: i32) -> (i32, i32) {
    %c0_i32 = arith.constant 0 : i32
    %c0_i32_0 = arith.constant 0 : i32
    return %arg0, %c0_i32 : i32, i32
  }
}

module attributes {stable_mosaic.version = 14 : i64} {
  func.func @body(%arg0: i32, %arg1: memref<2x1000x128xf32, #tpu.memory_space<vmem>>, %arg2: memref<1x128xf32, #tpu.memory_space<vmem>>, %arg3: memref<128x128xf32, #tpu.memory_space<vmem>>, %arg4: memref<1000x128xf32, #tpu.memory_space<vmem>>) attributes {dimension_semantics = [#tpu.dimension_semantics<arbitrary>], iteration_bounds = array<i64: 10>, scalar_prefetch = 0 : i64, scratch_operands = 0 : i64, tpu.core_type = #tpu.core_type<tc>, window_params = [{transform_indices = @transform_0, window_bounds = array<i64: 2, 1000, 128>}, {pipeline_mode = #tpu.pipeline_mode<synchronous>, transform_indices = @transform_1, window_bounds = array<i64: 1, 128>}, {pipeline_mode = #tpu.pipeline_mode<synchronous>, transform_indices = @transform_2, window_bounds = array<i64: 128, 128>}, {transform_indices = @transform_3, window_bounds = array<i64: 1000, 128>}]} {
    %get3A = arith.constant 0 : index
    %get3A_0 = arith.constant 0 : index
    %get3A_1 = arith.constant 0 : index
    %get3A_2 = vector.load %arg1[%get3A, %get3A_0, %get3A_1] : memref<2x1000x128xf32, #tpu.memory_space<vmem>>, vector<1x1000x128xf32>
    %get3A_3 = vector.shape_cast %get3A_2 : vector<1x1000x128xf32> to vector<1000x128xf32>
    %get3A_4 = arith.constant 1 : index
    %get3A_5 = arith.constant 0 : index
    %get3A_6 = arith.constant 0 : index
    %get3A_7 = vector.load %arg1[%get3A_4, %get3A_5, %get3A_6] : memref<2x1000x128xf32, #tpu.memory_space<vmem>>, vector<1x1000x128xf32>
    %get3A_8 = vector.shape_cast %get3A_7 : vector<1x1000x128xf32> to vector<1000x128xf32>
    %add3A = arith.addf %get3A_3, %get3A_8 : vector<1000x128xf32>
    %get3A_9 = arith.constant 0 : index
    %get3A_10 = arith.constant 0 : index
    %get3A_11 = vector.load %arg2[%get3A_9, %get3A_10] : memref<1x128xf32, #tpu.memory_space<vmem>>, vector<1x128xf32>
    %add3A_12 = vector.broadcast %get3A_11 : vector<1x128xf32> to vector<1000x128xf32>
    %add3A_13 = arith.addf %add3A, %add3A_12 : vector<1000x128xf32>
    %max3A = arith.constant 0.000000e+00 : f32
    %max3A_14 = vector.broadcast %max3A : f32 to vector<1000x128xf32>
    %max3A_15 = arith.maximumf %add3A_13, %max3A_14 : vector<1000x128xf32>
    %get3A_16 = arith.constant 0 : index
    %get3A_17 = arith.constant 0 : index
    %get3A_18 = vector.load %arg3[%get3A_16, %get3A_17] : memref<128x128xf32, #tpu.memory_space<vmem>>, vector<128x128xf32>
    %dot_general3A = arith.constant dense<0.000000e+00> : vector<1000x128xf32>
    %dot_general3A_19 = tpu.matmul %max3A_15, %get3A_18, %dot_general3A {dimension_numbers = #tpu.dot_dimension_numbers<[1], [0], [0], [1], [0, 0, 1, 1], [], []>, transpose_lhs_hint = false} : vector<1000x128xf32>, vector<128x128xf32>, vector<1000x128xf32> -> vector<1000x128xf32>
    %convert_element_type3A = arith.truncf %dot_general3A_19 : vector<1000x128xf32> to vector<1000x128xbf16>
    %convert_element_type3A_20 = arith.extf %convert_element_type3A : vector<1000x128xbf16> to vector<1000x128xf32>
    %swap3A = arith.constant 0 : index
    %swap3A_21 = arith.constant 0 : index
    %swap3A_22 = vector.load %arg4[%swap3A, %swap3A_21] : memref<1000x128xf32, #tpu.memory_space<vmem>>, vector<1000x128xf32>
    tpu.vector_store %arg4[%swap3A, %swap3A_21], %convert_element_type3A_20 {strides = array<i32>} : memref<1000x128xf32, #tpu.memory_space<vmem>>, vector<1000x128xf32>,
    return
  }
  func.func @transform_0(%arg0: i32) -> (i32, i32, i32) {
    %c0_i32 = arith.constant 0 : i32
    %c0_i32_0 = arith.constant 0 : i32
    %c0_i32_1 = arith.constant 0 : i32
    return %c0_i32, %arg0, %c0_i32_0 : i32, i32, i32
  }
  func.func @transform_1(%arg0: i32) -> (i32, i32) {
    %c0_i32 = arith.constant 0 : i32
    %c0_i32_0 = arith.constant 0 : i32
    %c0_i32_1 = arith.constant 0 : i32
    return %c0_i32, %c0_i32_0 : i32, i32
  }
  func.func @transform_2(%arg0: i32) -> (i32, i32) {
    %c0_i32 = arith.constant 0 : i32
    %c0_i32_0 = arith.constant 0 : i32
    %c0_i32_1 = arith.constant 0 : i32
    return %c0_i32, %c0_i32_0 : i32, i32
  }
  func.func @transform_3(%arg0: i32) -> (i32, i32) {
    %c0_i32 = arith.constant 0 : i32
    %c0_i32_0 = arith.constant 0 : i32
    return %arg0, %c0_i32 : i32, i32
  }
}

module attributes {stable_mosaic.version = 14 : i64} {
  func.func @body(%arg0: i32, %arg1: memref<2x1000x128xf32, #tpu.memory_space<vmem>>, %arg2: memref<1x128xf32, #tpu.memory_space<vmem>>, %arg3: memref<1000x128xf32, #tpu.memory_space<vmem>>, %arg4: memref<1000x128xf32, #tpu.memory_space<vmem>>) attributes {dimension_semantics = [#tpu.dimension_semantics<arbitrary>], iteration_bounds = array<i64: 10>, scalar_prefetch = 0 : i64, scratch_operands = 0 : i64, tpu.core_type = #tpu.core_type<tc>, window_params = [{transform_indices = @transform_0, window_bounds = array<i64: 2, 1000, 128>}, {pipeline_mode = #tpu.pipeline_mode<synchronous>, transform_indices = @transform_1, window_bounds = array<i64: 1, 128>}, {transform_indices = @transform_2, window_bounds = array<i64: 1000, 128>}, {transform_indices = @transform_3, window_bounds = array<i64: 1000, 128>}]} {
    %get3A = arith.constant 0 : index
    %get3A_0 = arith.constant 0 : index
    %get3A_1 = arith.constant 0 : index
    %get3A_2 = vector.load %arg1[%get3A, %get3A_0, %get3A_1] : memref<2x1000x128xf32, #tpu.memory_space<vmem>>, vector<1x1000x128xf32>
    %get3A_3 = vector.shape_cast %get3A_2 : vector<1x1000x128xf32> to vector<1000x128xf32>
    %get3A_4 = arith.constant 1 : index
    %get3A_5 = arith.constant 0 : index
    %get3A_6 = arith.constant 0 : index
    %get3A_7 = vector.load %arg1[%get3A_4, %get3A_5, %get3A_6] : memref<2x1000x128xf32, #tpu.memory_space<vmem>>, vector<1x1000x128xf32>
    %get3A_8 = vector.shape_cast %get3A_7 : vector<1x1000x128xf32> to vector<1000x128xf32>
    %add3A = arith.addf %get3A_3, %get3A_8 : vector<1000x128xf32>
    %get3A_9 = arith.constant 0 : index
    %get3A_10 = arith.constant 0 : index
    %get3A_11 = vector.load %arg2[%get3A_9, %get3A_10] : memref<1x128xf32, #tpu.memory_space<vmem>>, vector<1x128xf32>
    %add3A_12 = vector.broadcast %get3A_11 : vector<1x128xf32> to vector<1000x128xf32>
    %add3A_13 = arith.addf %add3A, %add3A_12 : vector<1000x128xf32>
    %max3A = arith.constant 0.000000e+00 : f32
    %max3A_14 = vector.broadcast %max3A : f32 to vector<1000x128xf32>
    %max3A_15 = arith.maximumf %add3A_13, %max3A_14 : vector<1000x128xf32>
    %get3A_16 = arith.constant 0 : index
    %get3A_17 = arith.constant 0 : index
    %get3A_18 = vector.load %arg3[%get3A_16, %get3A_17] : memref<1000x128xf32, #tpu.memory_space<vmem>>, vector<1000x128xf32>
    %add3A_19 = arith.addf %max3A_15, %get3A_18 : vector<1000x128xf32>
    %convert_element_type3A = arith.truncf %add3A_19 : vector<1000x128xf32> to vector<1000x128xbf16>
    %convert_element_type3A_20 = arith.extf %convert_element_type3A : vector<1000x128xbf16> to vector<1000x128xf32>
    %swap3A = arith.constant 0 : index
    %swap3A_21 = arith.constant 0 : index
    %swap3A_22 = vector.load %arg4[%swap3A, %swap3A_21] : memref<1000x128xf32, #tpu.memory_space<vmem>>, vector<1000x128xf32>
    tpu.vector_store %arg4[%swap3A, %swap3A_21], %convert_element_type3A_20 {strides = array<i32>} : memref<1000x128xf32, #tpu.memory_space<vmem>>, vector<1000x128xf32>,
    return
  }
  func.func @transform_0(%arg0: i32) -> (i32, i32, i32) {
    %c0_i32 = arith.constant 0 : i32
    %c0_i32_0 = arith.constant 0 : i32
    %c0_i32_1 = arith.constant 0 : i32
    return %c0_i32, %arg0, %c0_i32_0 : i32, i32, i32
  }
  func.func @transform_1(%arg0: i32) -> (i32, i32) {
    %c0_i32 = arith.constant 0 : i32
    %c0_i32_0 = arith.constant 0 : i32
    %c0_i32_1 = arith.constant 0 : i32
    return %c0_i32, %c0_i32_0 : i32, i32
  }
  func.func @transform_2(%arg0: i32) -> (i32, i32) {
    %c0_i32 = arith.constant 0 : i32
    %c0_i32_0 = arith.constant 0 : i32
    return %arg0, %c0_i32 : i32, i32
  }
  func.func @transform_3(%arg0: i32) -> (i32, i32) {
    %c0_i32 = arith.constant 0 : i32
    %c0_i32_0 = arith.constant 0 : i32
    return %arg0, %c0_i32 : i32, i32
  }
}

module attributes {stable_mosaic.version = 14 : i64} {
  func.func @body(%arg0: i32, %arg1: memref<2x1000x128xf32, #tpu.memory_space<vmem>>, %arg2: memref<128x64xf32, #tpu.memory_space<vmem>>, %arg3: memref<1x64xf32, #tpu.memory_space<vmem>>, %arg4: memref<1000x64xf32, #tpu.memory_space<vmem>>) attributes {dimension_semantics = [#tpu.dimension_semantics<arbitrary>], iteration_bounds = array<i64: 10>, scalar_prefetch = 0 : i64, scratch_operands = 0 : i64, tpu.core_type = #tpu.core_type<tc>, window_params = [{transform_indices = @transform_0, window_bounds = array<i64: 2, 1000, 128>}, {pipeline_mode = #tpu.pipeline_mode<synchronous>, transform_indices = @transform_1, window_bounds = array<i64: 128, 64>}, {pipeline_mode = #tpu.pipeline_mode<synchronous>, transform_indices = @transform_2, window_bounds = array<i64: 1, 64>}, {transform_indices = @transform_3, window_bounds = array<i64: 1000, 64>}]} {
    %get3A = arith.constant 0 : index
    %get3A_0 = arith.constant 0 : index
    %get3A_1 = arith.constant 0 : index
    %get3A_2 = vector.load %arg1[%get3A, %get3A_0, %get3A_1] : memref<2x1000x128xf32, #tpu.memory_space<vmem>>, vector<1x1000x128xf32>
    %get3A_3 = vector.shape_cast %get3A_2 : vector<1x1000x128xf32> to vector<1000x128xf32>
    %get3A_4 = arith.constant 1 : index
    %get3A_5 = arith.constant 0 : index
    %get3A_6 = arith.constant 0 : index
    %get3A_7 = vector.load %arg1[%get3A_4, %get3A_5, %get3A_6] : memref<2x1000x128xf32, #tpu.memory_space<vmem>>, vector<1x1000x128xf32>
    %get3A_8 = vector.shape_cast %get3A_7 : vector<1x1000x128xf32> to vector<1000x128xf32>
    %add3A = arith.addf %get3A_3, %get3A_8 : vector<1000x128xf32>
    %get3A_9 = arith.constant 0 : index
    %get3A_10 = arith.constant 0 : index
    %get3A_11 = vector.load %arg2[%get3A_9, %get3A_10] : memref<128x64xf32, #tpu.memory_space<vmem>>, vector<128x64xf32>
    %dot_general3A = arith.constant dense<0.000000e+00> : vector<1000x64xf32>
    %dot_general3A_12 = tpu.matmul %add3A, %get3A_11, %dot_general3A {dimension_numbers = #tpu.dot_dimension_numbers<[1], [0], [0], [1], [0, 0, 1, 1], [], []>, transpose_lhs_hint = false} : vector<1000x128xf32>, vector<128x64xf32>, vector<1000x64xf32> -> vector<1000x64xf32>
    %get3A_13 = arith.constant 0 : index
    %get3A_14 = arith.constant 0 : index
    %get3A_15 = vector.load %arg3[%get3A_13, %get3A_14] : memref<1x64xf32, #tpu.memory_space<vmem>>, vector<1x64xf32>
    %add3A_16 = vector.broadcast %get3A_15 : vector<1x64xf32> to vector<1000x64xf32>
    %add3A_17 = arith.addf %dot_general3A_12, %add3A_16 : vector<1000x64xf32>
    %swap3A = arith.constant 0 : index
    %swap3A_18 = arith.constant 0 : index
    %swap3A_19 = vector.load %arg4[%swap3A, %swap3A_18] : memref<1000x64xf32, #tpu.memory_space<vmem>>, vector<1000x64xf32>
    tpu.vector_store %arg4[%swap3A, %swap3A_18], %add3A_17 {strides = array<i32>} : memref<1000x64xf32, #tpu.memory_space<vmem>>, vector<1000x64xf32>,
    return
  }
  func.func @transform_0(%arg0: i32) -> (i32, i32, i32) {
    %c0_i32 = arith.constant 0 : i32
    %c0_i32_0 = arith.constant 0 : i32
    %c0_i32_1 = arith.constant 0 : i32
    return %c0_i32, %arg0, %c0_i32_0 : i32, i32, i32
  }
  func.func @transform_1(%arg0: i32) -> (i32, i32) {
    %c0_i32 = arith.constant 0 : i32
    %c0_i32_0 = arith.constant 0 : i32
    %c0_i32_1 = arith.constant 0 : i32
    return %c0_i32, %c0_i32_0 : i32, i32
  }
  func.func @transform_2(%arg0: i32) -> (i32, i32) {
    %c0_i32 = arith.constant 0 : i32
    %c0_i32_0 = arith.constant 0 : i32
    %c0_i32_1 = arith.constant 0 : i32
    return %c0_i32, %c0_i32_0 : i32, i32
  }
  func.func @transform_3(%arg0: i32) -> (i32, i32) {
    %c0_i32 = arith.constant 0 : i32
    %c0_i32_0 = arith.constant 0 : i32
    return %arg0, %c0_i32 : i32, i32
  }
}

</mosaic_0001>

<sc_bundles>
// kernel: kernel.12.cloned.1.call-start
scs
__scs_entry_jumppad:
0x0: {  	(pc) =	sbr.rel $0x88, $3  }
0x1: {  	(tag) =	ssettag $0x0;
	lr =	simm.s32 $0x1  }
0x2: {  	[smem:$0x3F98] =	sst lr;
	_ =	strace $0xD0000000  }
0x3: {  	_ = 	snop  }
0x4: {  	_ = 	snop  }
0x5: {  	_ = 	snop  }
0x6: {  	_ = 	snop  }
0x7: {  	_ = 	snop  }
__scs_overlays_trampoline_lowered:
0x8: {  	[smem:$0x3FA7] =	sst s0  }
0x9: {  	[smem:$0x3FA8] =	sst s1  }
0xa: {  	[smem:$0x3FA9] =	sst s2  }
0xb: {  	[smem:$0x3FAA] =	sst s3  }
0xc: {  	[smem:$0x3FAB] =	sst s4  }
0xd: {  	[smem:$0x3FAC] =	sst s5  }
0xe: {  	[smem:$0x3FAD] =	sst s6  }
0xf: {  	[smem:$0x3FAE] =	sst s7  }
0x10: {  	[smem:$0x3FAF] =	sst s8  }
0x11: {  	[smem:$0x3FB0] =	sst s9;
	s0 =	simm.s32 @!p0 $0x0  }
0x12: {  	s1 =	sld [smem:$0x3F96];
	s0 =	simm.s32 @p0 $0x1  }
0x13: {  	[smem:$0x3FB1] =	sst s0;
	s0 =	simm.s32 @!p1 $0x0  }
0x14: {  	s2 =	sld [smem:$0x3F95];
	s0 =	simm.s32 @p1 $0x1  }
0x15: {  	[smem:$0x3FB2] =	sst s0;
	s0 =	simm.s32 @!p2 $0x0  }
0x16: {  	s3 =	sld [smem:$0x3FDB];
	s0 =	simm.s32 @p2 $0x1  }
0x17: {  	s4 =	simm.s32 $0x1BF5;
	[smem:$0x3FB4] =	sst s0  }
0x18: {  	s0 =	sld [smem:$0x3F97];
	_ =	swait.ge [sflag:s4], $0x0  }
0x19: {  	s7 =	sld [smem:$0x3F98]  }
0x1a: {  	s8 =	sadd.s32 $0xFFFFE003, lr  }
0x1b: {  	s9 =	sadd.s32 $0xFFFFFEF7, lr;
	s5 =	simm.s32 $0xFFFFFFFF;
	p2 =	slt.u32 s8, $0xFFFFF086  }
0x1c: {  	p1 =	slt.u32 s9, $0xF7A;
	s5 =	simm.s32 @!p2 $0x0  }
0x1d: {  	s5 =	simm.s32 @p1 $0x1;
	p0 =	seq.s32 s7, s2  }
0x1e: {  	s7 =	smul.u32 @!p0 $0xF7A, s2;
	p2 =	seq.s32 @!p0 s5, $0x0  }
0x1f: {  	s9 =	smul.u32 $0xF7A, s1;
	s8 =	simm.s32 @!p0 $0x1BF5;
	p2 =	por !p2, p0  }
0x20: {  	[sflag:s8] =	ssyncset.s32 @!p0 $0xFFFFF086;
	s6 =	sadd.s32 @!p0 s3, s7;
	s7 =	simm.s32 @!p0 $0x108  }
0x21: {  	s3 =	sadd.s32 s3, s9;
	s6 =	sadd.s32 @!p0 $0x88, s6;
	s7 =	simm.s32 @p2 $0x1082  }
0x22: {  	[simem:s7], [sflag:s8] =	dma.local @!p0 [hbm:s6], $0xF7A  }
0x23: {  	s9 =	sor.u32 $0xD0000000, s2;
	s6 =	simm.s32 $0x108;
	_ =	swait.ge @!p0 [sflag:s8], $0x0  }
0x24: {  	s3 =	sadd.s32 $0x88, s3;
	s6 =	simm.s32 @!p1 $0x1082;
	[sflag:s4] =	ssyncset.s32 $0xFFFFF086  }
0x25: {  	[simem:s6], [sflag:s4] =	dma.local [hbm:s3], $0xF7A  }
0x26: {  	[smem:$0x3F98] =	sst s1;
	(tag) =	ssettag s2;
	_ =	strace s9  }
0x27: {  	s1 =	sld [smem:$0x3FA8]  }
0x28: {  	s2 =	sld [smem:$0x3FA9]  }
0x29: {  	s4 =	sld [smem:$0x3FAB]  }
0x2a: {  	p0 =	seq.s32 s5, $0x0;
	s5 =	sld [smem:$0x3FAC]  }
0x2b: {  	s6 =	sld [smem:$0x3FAD]  }
0x2c: {  	s7 =	sld [smem:$0x3FAE]  }
0x2d: {  	s3 =	simm.s32 $0x108;
	s8 =	sld [smem:$0x3FAF]  }
0x2e: {  	s3 =	simm.s32 @!p0 $0x1082;
	s9 =	sld [smem:$0x3FB0]  }
0x2f: {  	lr =	sadd.s32 s0, s3;
	s0 =	sld [smem:$0x3FA7]  }
0x30: {  	s3 =	sld [smem:$0x3FAA]  }
0x31: {  	[smem:$0x3FB3] =	sst s10  }
0x32: {  	s10 =	sld [smem:$0x3FB1];
	_ =	sdelay $0x3  }
0x33: {  	p0 =	seq.s32 s10, $0x1;
	s10 =	sld [smem:$0x3FB3];
	_ =	sdelay $0x3  }
0x34: {  	[smem:$0x3FB3] =	sst s10  }
0x35: {  	s10 =	sld [smem:$0x3FB2];
	_ =	sdelay $0x3  }
0x36: {  	p1 =	seq.s32 s10, $0x1;
	s10 =	sld [smem:$0x3FB3];
	_ =	sdelay $0x3  }
0x37: {  	[smem:$0x3FB3] =	sst s10  }
0x38: {  	s10 =	sld [smem:$0x3FB4]  }
0x39: {  	_ = 	snop;
	(pc) =	sbr.ind lr, $3  }
0x3a: {  	_ = 	snop  }
0x3b: {  	_ = 	snop  }
0x3c: {  	p2 =	seq.s32 s10, $0x1;
	s10 =	sld [smem:$0x3FB3]  }
0x3d: {  	_ =	shalt  }
0x3e: {  	_ =	shalt  }
0x3f: {  	_ =	shalt  }
0x40: {  	_ =	shalt  }
0x41: {  	_ =	shalt  }
0x42: {  	_ =	shalt  }
0x43: {  	_ =	shalt  }
0x44: {  	_ =	shalt  }
0x45: {  	_ =	shalt  }
0x46: {  	_ =	shalt  }
0x47: {  	_ =	shalt  }
0x48: {  	_ =	shalt  }
0x49: {  	_ =	shalt  }
0x4a: {  	_ =	shalt  }
0x4b: {  	_ =	shalt  }
0x4c: {  	_ =	shalt  }
0x4d: {  	_ =	shalt  }
0x4e: {  	_ =	shalt  }
0x4f: {  	_ =	shalt  }
0x50: {  	_ =	shalt  }
0x51: {  	_ =	shalt  }
0x52: {  	_ =	shalt  }
0x53: {  	_ =	shalt  }
0x54: {  	_ =	shalt  }
0x55: {  	_ =	shalt  }
0x56: {  	_ =	shalt  }
0x57: {  	_ =	shalt  }
0x58: {  	_ =	shalt  }
0x59: {  	_ =	shalt  }
0x5a: {  	_ =	shalt  }
0x5b: {  	_ =	shalt  }
0x5c: {  	_ =	shalt  }
0x5d: {  	_ =	shalt  }
0x5e: {  	_ =	shalt  }
0x5f: {  	_ =	shalt  }
0x60: {  	_ =	shalt  }
0x61: {  	_ =	shalt  }
0x62: {  	_ =	shalt  }
0x63: {  	_ =	shalt  }
0x64: {  	_ =	shalt  }
0x65: {  	_ =	shalt  }
0x66: {  	_ =	shalt  }
0x67: {  	_ =	shalt  }
0x68: {  	_ =	shalt  }
0x69: {  	_ =	shalt  }
0x6a: {  	_ =	shalt  }
0x6b: {  	_ =	shalt  }
0x6c: {  	_ =	shalt  }
0x6d: {  	_ =	shalt  }
0x6e: {  	_ =	shalt  }
0x6f: {  	_ =	shalt  }
0x70: {  	_ =	shalt  }
0x71: {  	_ =	shalt  }
0x72: {  	_ =	shalt  }
0x73: {  	_ =	shalt  }
0x74: {  	_ =	shalt  }
0x75: {  	_ =	shalt  }
0x76: {  	_ =	shalt  }
0x77: {  	_ =	shalt  }
0x78: {  	_ =	shalt  }
0x79: {  	_ =	shalt  }
0x7a: {  	_ =	shalt  }
0x7b: {  	_ =	shalt  }
0x7c: {  	_ =	shalt  }
0x7d: {  	_ =	shalt  }
0x7e: {  	_ =	shalt  }
0x7f: {  	_ =	shalt  }
0x80: {  	_ =	shalt  }
0x81: {  	_ =	shalt  }
0x82: {  	_ =	shalt  }
0x83: {  	_ =	shalt  }
0x84: {  	_ =	shalt  }
0x85: {  	_ =	shalt  }
0x86: {  	_ =	shalt  }
0x87: {  	_ =	shalt  }
.Lfunc_end0:
.L_simem_size_0:
called_computation.1_lowered:
.L_overlay_start_0:
0x88: {  	s2 =	sld [smem:$0x3FD9]  }
0x89: {  	s3 =	sld [smem:$0x3FFE];
	_ =	sdelay $0x1  }
0x8a: {  	s1 =	srdreg.scid  }
0x8b: {  	s0 =	sand.u32 $0x1, s1  }
0x8c: {  	s17 =	sshll.u32 s0, $0xA;
	s2 =	sadd.s32 s3, s2  }
0x8d: {  	s2 =	sadd.s32 s2, s17  }
0x8e: {  	[smem:$0x3FBF] =	sst s2  }
0x8f: {  	_ = 	snop  }
0x90: {  	s2 =	sld [smem:$0x3FD0];
	(tm) =	ssettm $0x1  }
0x91: {  	s18 =	sld [smem:$0x3FFB];
	_ =	sdelay $0x3  }
0x92: {  	_ =	strace s18  }
0x93: {  	s3 =	sld [smem:$0x3FFC];
	_ =	sdelay $0x3  }
0x94: {  	_ =	strace s3  }
0x95: {  	s3 =	sld [smem:$0x3FFD];
	_ =	sdelay $0x3  }
0x96: {  	_ =	strace s3  }
0x97: {  	_ =	strace $0x8FFFFFFF  }
0x98: {  	s19 =	sld [smem:$0x3FDB];
	_ =	sdelay $0x1  }
0x99: {  	s4 =	simm.s32 $_scs_section_size  }
0x9a: {  	s5 =	simm.s32 $_size__tile_overlayer_lowered;
	s6 =	simm.s32 $_tile_overlayer_lowered  }
0x9b: {  	s22 =	simm.s32 $0x1BFF;
	s21 =	sshll.u32 s6, $0x1;
	s3 =	sadd.s32 s4, s19  }
0x9c: {  	s7 =	simm.s32 $0x0;
	s20 =	sshll.u32 s5, $0x1;
	s5 =	sadd.s32 s21, s3  }
0x9d: {  	[timem:s7], [sflag:s22] =	dma.local [hbm:s5], s20  }
0x9e: {  	_ =	swait.ge [sflag:s22], s20  }
0x9f: {  	s4 =	ssub.s32 $0x0, s20;
	[sflag:s22] =	ssyncset.done $0x0  }
0xa0: {  	[sflag:s22] =	ssyncadd.s32 s4;
	_ =	sdelay $0x1  }
0xa1: {  	s23 =	simm.s32 $0x1B8B  }
0xa2: {  	_ =	swait.ge [sflag:s23], $0x1  }
0xa3: {  	[sflag:s23] =	ssyncset.done $0x0  }
0xa4: {  	s25 =	simm.s32 $0x1B8E;
	s24 =	sld [smem:$0x3FFE];
	[sflag:s23] =	ssyncadd.s32 $0xFFFFFFFF  }
0xa5: {  	s26 =	simm.s32 $execute0_lowered;
	[smem:$0x3FD2] =	sst s25  }
0xa6: {  	s5 =	sshll.u32 s26, $0x1;
	_ =	strace $0x80000049;
	[dreg:$0x1] =	wrdreg $0xFFFFFFFF  }
0xa7: {  	s28 =	simm.s32 $_size_execute0_lowered;
	s3 =	sadd.s32 s3, s5;
	[dreg:$0x0] =	wrdreg $0x0  }
0xa8: {  	s5 =	sshll.u32 s28, $0x1;
	[dreg:$0x2] =	wrdreg s3  }
0xa9: {  	[dreg:$0x3] =	wrdreg s5  }
0xaa: {  	[dreg:$0x4] =	wrdreg $0xC0  }
0xab: {  	_ =	task [dreg:s7], $0x5FFFF  }
0xac: {  	[dreg:$0x1] =	wrdreg $0xFFFFFFFF  }
0xad: {  	[dreg:$0x0] =	wrdreg $0x60  }
0xae: {  	[dreg:$0x2] =	wrdreg s24  }
0xaf: {  	[dreg:$0x3] =	wrdreg s2  }
0xb0: {  	[dreg:$0x4] =	wrdreg $0xB7800  }
0xb1: {  	[dreg:$0x5] =	wrdreg $0x9  }
0xb2: {  	_ =	task.clear_ibuf [dreg:s7], $0x6FFFF;
	_ =	strace $0x90000049  }
0xb3: {  	s29 =	simm.s32 $0x9;
	_ =	strace $0x8000004B  }
0xb4: {  	_ =	swait.ge [sflag:s29], $0x1  }
0xb5: {  	[sflag:s29] =	ssyncadd.s32 $0xFFFFFFFF  }
0xb6: {  	_ =	strace $0x9000004B  }
0xb7: {  	_ =	sfence  }
0xb8: {  	s30 =	sld [smem:$0x0];
	_ =	sdelay $0x2  }
0xb9: {  	s31 =	sshll.u32 s1, $0xD;
	s1 =	sshrl.u32 s1, $0x2  }
0xba: {  	s3 =	sand.u32 $0x4000, s31;
	s1 =	sadd.s32 s1, s30  }
0xbb: {  	s0 =	sor.u32 s3, s0;
	s1 =	sshll.u32 s1, $0x11  }
0xbc: {  	s0 =	sor.u32 s1, s0  }
0xbd: {  	s0 =	sadd.s32 $0x8F2B, s0  }
0xbe: {  	[sflag:s0] =	ssyncadd.remote.s32 $0x1  }
0xbf: {  	_ =	sfence.sel $0xFFFF  }
0xc0: {  	[dreg:$0x0] =	wrdreg $0xFFFFFFFF;
	(pc) =	sbr.abs _section_cstart, $3  }
0xc1: {  	[dreg:$0x1] =	wrdreg $0xFFFFFFFF  }
0xc2: {  	_ =	task.clear_ibuf [dreg:s7], $0x2FFFF;
	_ =	strace $0x9FFFFFFF  }
0xc3: {  	(tm) =	ssettm $0x7FFFFFFF  }
tec
execute0_lowered:
.L_overlay_start_1:
0x0: {  	(tag) =	ssettag $0x1  }
0x1: {  	s7 =	rddreg [dreg:$0x0]  }
0x2: {  	s0 =	srdreg.scid;
	s8 =	rddreg [dreg:$0x1]  }
0x3: {  	s14 =	stileid.u32;
	s1 =	rddreg [dreg:$0x2]  }
0x4: {  	s2 =	simm.s32 $0x0;
	s17 =	simm.s32 $0x50;
	s18 =	simm.s32 $0x6780  }
0x5: {  	s19 =	simm.s32 $0x8F80;
	s20 =	simm.s32 $0x1;
	s21 =	simm.s32 $0x2  }
0x6: {  	s22 =	simm.s32 $0x2710;
	s23 =	simm.s32 $0x6580;
	s24 =	simm.s32 $0x6600  }
0x7: {  	s25 =	simm.s32 $0x0;
	s5 =	sand.u32 $0x1, s0;
	s11 =	smul.u32 $0x4E000, s14  }
0x8: {  	s26 =	sshll.u32 s14, $0x7;
	[smem:$0x7FF] =	sst s2;
	s28 =	smul.u32 $0x13800, s14  }
0x9: {  	s16 =	sadd.s32 $0x138000, s1;
	p0 =	sne.s32 s14, $0x0;
	s0 =	sshll.u32 s5, $0x4  }
0xa: {  	s4 =	sand.u32 $0x380, s26;
	s10 =	ssub.s32 $0x2, s5;
	s13 =	smul.u32 $0x138800, s5  }
0xb: {  	s16 =	sshrl.u32 @!p0 s16, $0x3;
	s6 =	sor.u32 s14, s0;
	s12 =	sshrl.u32 s10, $0x1  }
0xc: {  	s29 =	sshrl.u32 s11, $0x2;
	s11 =	simm.s32 $0x400;
	s14 =	sshll.u32 s14, $0x6  }
0xd: {  	s0 =	sshrl.u32 s6, $0x3;
	s10 =	ssub.s32 s10, s12;
	s6 =	sshll.u32 s6, $0xB  }
0xe: {  	s15 =	sadd.s32 s29, s1;
	s30 =	sadd.s32 s28, s13;
	s31 =	sshrl.u32 s13, $0x3  }
0xf: {  	s12 =	simm.s32 $0x3;
	s13 =	simm.s32 $0x2780;
	s3 =	smul.u32 $0x13C00, s0  }
0x10: {  	s14 =	sor.u32 $0x1C03, s14;
	s0 =	rddreg [dreg:$0x3];
	_ =	strace $0x8000004A  }
0x11: {  	s6 =	sadd.s32 s8, s6;
	s8 =	sshrl.u32 s30, $0x3;
	s3 =	sor.u32 s4, s3  }
0x12: {  	s15 =	sshrl.u32 s15, $0x3;
	s4 =	sshrl.u32 s3, $0x3;
	s3 =	sadd.s32 $0xC600, s7  }
0x13: {  	s9 =	sadd.s32 s4, s7;
	s4 =	sadd.s32 $0x33800, s7;
	s7 =	sadd.s32 $0x36000, s7  }
0x14: {  	s5 =	sadd.s32 $0x2800, s9;
	s9 =	sadd.s32 s7, s31;
	s7 =	sadd.s32 s7, s8  }
0x15: {  	s8 =	sadd.s32 $0x27000, s9;
	s9 =	smax.u32 s10, $0x1;
	s10 =	simm.s32 $0x80  }
.LBB2_1:
0x16: {  	[tilespmem:s2], [sflag:$0x3] =	stream.strided.gather [hbm4b:s5+s10], $0x2780, s11, s10, $0x38;
	[tilespmem:$0x1F040] =	vst v63  }
0x17: {  	_ =	swait.ge [sflag:s12], $0x2780  }
0x18: {  	[sflag:s12] =	ssyncset.done $0x0  }
0x19: {  	[sflag:s12] =	ssyncadd.s32 $0xFFFFD880  }
0x1a: {  	[tilespmem:s13], [sflag:$0x3] =	stream.linear.gather [hbm4b:s6+s2], $0x3F00, $0x38;
	[tilespmem:$0x1F040] =	vst v63  }
0x1b: {  	_ =	swait.ge [sflag:s12], $0x3F00  }
0x1c: {  	[sflag:s12] =	ssyncset.done $0x0  }
0x1d: {  	[sflag:s12] =	ssyncadd.s32 $0xFFFFC100  }
0x1e: {  	[spmem:s15], [sflag:s14] =	dma.local [hbm:s4], $0x2700  }
0x1f: {  	_ =	swait.ge [sflag:s12], $0x2700  }
0x20: {  	[sflag:s12] =	ssyncset.done $0x0  }
0x21: {  	s26 =	simm.s32 @!p0 $0x3;
	[sflag:s12] =	ssyncadd.s32 $0xFFFFD900  }
0x22: {  	[spmem:s16], [sflag:s14] =	dma.local @!p0 [hbm:s4], $0x100  }
0x23: {  	_ =	swait.ge @!p0 [sflag:s26], $0x100  }
0x24: {  	[sflag:s26] =	ssyncset.done @!p0 $0x0  }
0x25: {  	[sflag:s26] =	ssyncadd.s32 @!p0 $0xFFFFFF00  }
0x26: {  	[bflag:$0x0] =	sbarrier.arrive $0xFFFF  }
0x27: {  	[tilespmem:s18], [sflag:$0x1] =	stream.indirect.gather [hbm4b:s3+s17], $0x80, s2, s17, $0xb8;
	[tilespmem:$0x1F040] =	vst v63  }
0x28: {  	s30 =	simm.s32 $0x50  }
0x29: {  	[tilespmem:s19], [sflag:$0x2] =	stream.indirect.gather [hbm4b:s3+s17], $0x80, s30, s17, $0xb8;
	[tilespmem:$0x1F040] =	vst v63  }
0x2a: {  	_ =	swait.ge [sflag:s20], $0x2800  }
0x2b: {  	[sflag:s20] =	ssyncset.done $0x0  }
0x2c: {  	s31 =	simm.s32 $0x2780;
	[sflag:s20] =	ssyncadd.s32 $0xFFFFD800  }
0x2d: {  	[spmem:s1] =	stream.indirect.scatter.add.f32 [tilespmem:s18], [sflag:$0x3], $0x80, s31, s17, $0xb8;
	[tilespmem:$0x1F040] =	vst v63  }
0x2e: {  	_ =	swait.ge [sflag:s12], $0x2800  }
0x2f: {  	[sflag:s12] =	ssyncset.done $0x0  }
0x30: {  	s30 =	simm.s32 $0xA0;
	[sflag:s12] =	ssyncadd.s32 $0xFFFFD800  }
0x31: {  	[tilespmem:s18], [sflag:$0x1] =	stream.indirect.gather [hbm4b:s3+s17], $0x80, s30, s17, $0xb8;
	[tilespmem:$0x1F040] =	vst v63  }
0x32: {  	_ =	swait.ge [sflag:s21], $0x2800  }
0x33: {  	[sflag:s21] =	ssyncset.done $0x0  }
0x34: {  	s31 =	simm.s32 $0x2800;
	[sflag:s21] =	ssyncadd.s32 $0xFFFFD800  }
0x35: {  	[spmem:s1] =	stream.indirect.scatter.add.f32 [tilespmem:s19], [sflag:$0x3], $0x80, s31, s17, $0xb8;
	[tilespmem:$0x1F040] =	vst v63  }
0x36: {  	s28 =	simm.s32 $0x400;
	_ =	swait.ge [sflag:s12], $0x2800  }
0x37: {  	s29 =	simm.s32 $0x800;
	s26 =	simm.s32 $0x140;
	[sflag:s12] =	ssyncset.done $0x0  }
.LBB2_2:
0x38: {  	p1 =	sne.s32 s29, $0xF400;
	s30 =	sadd.s32 $0xFFFFFFB0, s26;
	[sflag:s12] =	ssyncadd.s32 $0xFFFFD800  }
0x39: {  	[tilespmem:s19], [sflag:$0x2] =	stream.indirect.gather [hbm4b:s3+s17], $0x80, s30, s17, $0xb8;
	[tilespmem:$0x1F040] =	vst v63  }
0x3a: {  	s30 =	smov.u32 s29;
	s29 =	sadd.s32 $0x400, s29;
	_ =	swait.ge [sflag:s20], $0x2800  }
0x3b: {  	s31 =	sshra.s32 s28, $0x2;
	s28 =	smov.u32 s30;
	[sflag:s20] =	ssyncset.done $0x0  }
0x3c: {  	s30 =	sadd.s32 $0x2780, s31;
	[sflag:s20] =	ssyncadd.s32 $0xFFFFD800  }
0x3d: {  	[spmem:s1] =	stream.indirect.scatter.add.f32 [tilespmem:s18], [sflag:$0x3], $0x80, s30, s17, $0xb8;
	[tilespmem:$0x1F040] =	vst v63  }
0x3e: {  	_ =	swait.ge [sflag:s12], $0x2800  }
0x3f: {  	[sflag:s12] =	ssyncset.done $0x0  }
0x40: {  	[sflag:s12] =	ssyncadd.s32 $0xFFFFD800  }
0x41: {  	[tilespmem:s18], [sflag:$0x1] =	stream.indirect.gather [hbm4b:s3+s17], $0x80, s26, s17, $0xb8;
	[tilespmem:$0x1F040] =	vst v63  }
0x42: {  	_ =	swait.ge [sflag:s21], $0x2800  }
.Ltmp0:
0x43: {  	[sflag:s21] =	ssyncset.done $0x0;
	(pc) =	sbr.rel @p1 .LBB2_2-.Ltmp0, $4  }
0x44: {  	s30 =	sadd.s32 $0x2800, s31;
	[sflag:s21] =	ssyncadd.s32 $0xFFFFD800  }
0x45: {  	[spmem:s1] =	stream.indirect.scatter.add.f32 [tilespmem:s19], [sflag:$0x3], $0x80, s30, s17, $0xb8;
	[tilespmem:$0x1F040] =	vst v63  }
0x46: {  	_ =	swait.ge [sflag:s12], $0x2800  }
0x47: {  	s26 =	sadd.s32 $0xA0, s26;
	[sflag:s12] =	ssyncset.done $0x0  }
0x48: {  	s29 =	sadd.s32 $0xFFFFFFB0, s26;
	[sflag:s12] =	ssyncadd.s32 $0xFFFFD800  }
0x49: {  	[tilespmem:s19], [sflag:$0x2] =	stream.indirect.gather [hbm4b:s3+s17], $0x80, s29, s17, $0xb8;
	[tilespmem:$0x1F040] =	vst v63  }
0x4a: {  	_ =	swait.ge [sflag:s20], $0x2800  }
0x4b: {  	s28 =	sshra.s32 s28, $0x2;
	[sflag:s20] =	ssyncset.done $0x0  }
0x4c: {  	s30 =	sadd.s32 $0x2780, s28;
	[sflag:s20] =	ssyncadd.s32 $0xFFFFD800  }
0x4d: {  	[spmem:s1] =	stream.indirect.scatter.add.f32 [tilespmem:s18], [sflag:$0x3], $0x80, s30, s17, $0xb8;
	[tilespmem:$0x1F040] =	vst v63  }
0x4e: {  	_ =	swait.ge [sflag:s12], $0x2800  }
0x4f: {  	[sflag:s12] =	ssyncset.done $0x0  }
0x50: {  	[sflag:s12] =	ssyncadd.s32 $0xFFFFD800  }
0x51: {  	[tilespmem:s18], [sflag:$0x1] =	stream.indirect.gather [hbm4b:s3+s17], $0x80, s26, s17, $0xb8;
	[tilespmem:$0x1F040] =	vst v63  }
0x52: {  	_ =	swait.ge [sflag:s21], $0x2800  }
0x53: {  	[sflag:s21] =	ssyncset.done $0x0  }
0x54: {  	s31 =	sadd.s32 $0x2800, s28;
	[sflag:s21] =	ssyncadd.s32 $0xFFFFD800  }
0x55: {  	[spmem:s1] =	stream.indirect.scatter.add.f32 [tilespmem:s19], [sflag:$0x3], $0x80, s31, s17, $0xb8;
	[tilespmem:$0x1F040] =	vst v63  }
0x56: {  	_ =	swait.ge [sflag:s12], $0x2800  }
0x57: {  	[sflag:s12] =	ssyncset.done $0x0  }
0x58: {  	[sflag:s12] =	ssyncadd.s32 $0xFFFFD800  }
0x59: {  	[tilespmem:s19], [sflag:$0x2] =	stream.indirect.gather [hbm4b:s3+s17], $0x80, s22, s17, $0xb8;
	[tilespmem:$0x1F040] =	vst v63  }
0x5a: {  	_ =	swait.ge [sflag:s20], $0x2800  }
0x5b: {  	[sflag:s20] =	ssyncset.done $0x0  }
0x5c: {  	[sflag:s20] =	ssyncadd.s32 $0xFFFFD800  }
0x5d: {  	[spmem:s1] =	stream.indirect.scatter.add.f32 [tilespmem:s18], [sflag:$0x3], $0x80, s23, s17, $0xb8;
	[tilespmem:$0x1F040] =	vst v63  }
0x5e: {  	_ =	swait.ge [sflag:s12], $0x2800  }
0x5f: {  	[sflag:s12] =	ssyncset.done $0x0  }
0x60: {  	[sflag:s12] =	ssyncadd.s32 $0xFFFFD800  }
0x61: {  	_ =	swait.ge [sflag:s21], $0x2800  }
0x62: {  	[sflag:s21] =	ssyncset.done $0x0  }
0x63: {  	[sflag:s21] =	ssyncadd.s32 $0xFFFFD800  }
0x64: {  	[spmem:s1] =	stream.indirect.scatter.add.f32 [tilespmem:s19], [sflag:$0x3], $0x80, s24, s17, $0xb8;
	[tilespmem:$0x1F040] =	vst v63  }
0x65: {  	_ =	swait.ge [sflag:s12], $0x2800  }
0x66: {  	[sflag:s12] =	ssyncset.done $0x0  }
0x67: {  	[sflag:s12] =	ssyncadd.s32 $0xFFFFD800  }
0x68: {  	[bflag:$0x0] =	sbarrier.arrive $0xFFFF  }
0x69: {  	[hbm:s7], [sflag:s14] =	dma.local [spmem:s15], $0x2700  }
0x6a: {  	s25 =	sadd.s32 $0x1, s25;
	_ =	swait.ge [sflag:s12], $0x2700  }
0x6b: {  	p1 =	sne.s32 s25, s9;
	[sflag:s12] =	ssyncset.done $0x0  }
.Ltmp1:
0x6c: {  	s26 =	simm.s32 @!p0 $0x3;
	[sflag:s12] =	ssyncadd.s32 $0xFFFFD900;
	(pc) =	sbr.rel @p1 .LBB2_1-.Ltmp1, $4  }
0x6d: {  	[hbm:s8], [sflag:s14] =	dma.local @!p0 [spmem:s16], $0x100  }
0x6e: {  	_ =	swait.ge @!p0 [sflag:s26], $0x100  }
0x6f: {  	[sflag:s26] =	ssyncset.done @!p0 $0x0  }
0x70: {  	[sflag:s26] =	ssyncadd.s32 @!p0 $0xFFFFFF00  }
0x71: {  	_ =	sfence.sel $0x180000  }
0x72: {  	[bflag:$0x0] =	sbarrier.arrive $0xFFFF  }
0x73: {  	_ =	strace $0x9000004A  }
0x74: {  	s0 =	sadd.s32 @!p0 $0x100000, s0;
	[bflag:$0x2] =	sbarrier.arrive $0xFFFF  }
0x75: {  	[sflag:s0] =	ssyncadd.tile.s32 @!p0 $0x1;
	_ =	shalt  }
.Lfunc_end2:
_tile_overlayer_lowered:
.L_overlay_start_2:
0x76: {  	(tag) =	ssettag $0x2  }
0x77: {  	s0 =	rddreg [dreg:$0x0];
	s2 =	stileid.u32  }
0x78: {  	s1 =	rddreg [dreg:$0x1];
	p0 =	sne.s32 s2, $0x0  }
0x79: {  	s3 =	rddreg [dreg:$0x2];
	[bflag:$0x3] =	sbarrier.arrive $0xFFFF;
	s2 =	simm.s32 @!p0 $0x1C03  }
0x7a: {  	[timem:s3], [sflag:s2] =	dma.local @!p0 [hbm:s0], s1  }
0x7b: {  	s0 =	simm.s32 @!p0 $0x3  }
0x7c: {  	_ =	swait.ge @!p0 [sflag:s0], s1  }
0x7d: {  	s1 =	ssub.s32 @!p0 $0x0, s1;
	[sflag:s0] =	ssyncset.done @!p0 $0x0  }
0x7e: {  	[sflag:s0] =	ssyncadd.s32 @!p0 s1  }
0x7f: {  	[bflag:$0x3] =	sbarrier.arrive $0xFFFF  }
0x80: {  	_ =	shalt  }

// kernel: kernel.15.cloned.1.call-start
scs
__scs_entry_jumppad:
0x0: {  	(pc) =	sbr.rel $0x88, $3  }
0x1: {  	(tag) =	ssettag $0x0;
	lr =	simm.s32 $0x1  }
0x2: {  	[smem:$0x3F98] =	sst lr;
	_ =	strace $0xD0000000  }
0x3: {  	_ = 	snop  }
0x4: {  	_ = 	snop  }
0x5: {  	_ = 	snop  }
0x6: {  	_ = 	snop  }
0x7: {  	_ = 	snop  }
__scs_overlays_trampoline_lowered:
0x8: {  	[smem:$0x3FA7] =	sst s0  }
0x9: {  	[smem:$0x3FA8] =	sst s1  }
0xa: {  	[smem:$0x3FA9] =	sst s2  }
0xb: {  	[smem:$0x3FAA] =	sst s3  }
0xc: {  	[smem:$0x3FAB] =	sst s4  }
0xd: {  	[smem:$0x3FAC] =	sst s5  }
0xe: {  	[smem:$0x3FAD] =	sst s6  }
0xf: {  	[smem:$0x3FAE] =	sst s7  }
0x10: {  	[smem:$0x3FAF] =	sst s8  }
0x11: {  	[smem:$0x3FB0] =	sst s9;
	s0 =	simm.s32 @!p0 $0x0  }
0x12: {  	s1 =	sld [smem:$0x3F96];
	s0 =	simm.s32 @p0 $0x1  }
0x13: {  	[smem:$0x3FB1] =	sst s0;
	s0 =	simm.s32 @!p1 $0x0  }
0x14: {  	s2 =	sld [smem:$0x3F95];
	s0 =	simm.s32 @p1 $0x1  }
0x15: {  	[smem:$0x3FB2] =	sst s0;
	s0 =	simm.s32 @!p2 $0x0  }
0x16: {  	s3 =	sld [smem:$0x3FDB];
	s0 =	simm.s32 @p2 $0x1  }
0x17: {  	s4 =	simm.s32 $0x1BF5;
	[smem:$0x3FB4] =	sst s0  }
0x18: {  	s0 =	sld [smem:$0x3F97];
	_ =	swait.ge [sflag:s4], $0x0  }
0x19: {  	s7 =	sld [smem:$0x3F98]  }
0x1a: {  	s8 =	sadd.s32 $0xFFFFE003, lr  }
0x1b: {  	s9 =	sadd.s32 $0xFFFFFEF7, lr;
	s5 =	simm.s32 $0xFFFFFFFF;
	p2 =	slt.u32 s8, $0xFFFFF086  }
0x1c: {  	p1 =	slt.u32 s9, $0xF7A;
	s5 =	simm.s32 @!p2 $0x0  }
0x1d: {  	s5 =	simm.s32 @p1 $0x1;
	p0 =	seq.s32 s7, s2  }
0x1e: {  	s7 =	smul.u32 @!p0 $0xF7A, s2;
	p2 =	seq.s32 @!p0 s5, $0x0  }
0x1f: {  	s9 =	smul.u32 $0xF7A, s1;
	s8 =	simm.s32 @!p0 $0x1BF5;
	p2 =	por !p2, p0  }
0x20: {  	[sflag:s8] =	ssyncset.s32 @!p0 $0xFFFFF086;
	s6 =	sadd.s32 @!p0 s3, s7;
	s7 =	simm.s32 @!p0 $0x108  }
0x21: {  	s3 =	sadd.s32 s3, s9;
	s6 =	sadd.s32 @!p0 $0x88, s6;
	s7 =	simm.s32 @p2 $0x1082  }
0x22: {  	[simem:s7], [sflag:s8] =	dma.local @!p0 [hbm:s6], $0xF7A  }
0x23: {  	s9 =	sor.u32 $0xD0000000, s2;
	s6 =	simm.s32 $0x108;
	_ =	swait.ge @!p0 [sflag:s8], $0x0  }
0x24: {  	s3 =	sadd.s32 $0x88, s3;
	s6 =	simm.s32 @!p1 $0x1082;
	[sflag:s4] =	ssyncset.s32 $0xFFFFF086  }
0x25: {  	[simem:s6], [sflag:s4] =	dma.local [hbm:s3], $0xF7A  }
0x26: {  	[smem:$0x3F98] =	sst s1;
	(tag) =	ssettag s2;
	_ =	strace s9  }
0x27: {  	s1 =	sld [smem:$0x3FA8]  }
0x28: {  	s2 =	sld [smem:$0x3FA9]  }
0x29: {  	s4 =	sld [smem:$0x3FAB]  }
0x2a: {  	p0 =	seq.s32 s5, $0x0;
	s5 =	sld [smem:$0x3FAC]  }
0x2b: {  	s6 =	sld [smem:$0x3FAD]  }
0x2c: {  	s7 =	sld [smem:$0x3FAE]  }
0x2d: {  	s3 =	simm.s32 $0x108;
	s8 =	sld [smem:$0x3FAF]  }
0x2e: {  	s3 =	simm.s32 @!p0 $0x1082;
	s9 =	sld [smem:$0x3FB0]  }
0x2f: {  	lr =	sadd.s32 s0, s3;
	s0 =	sld [smem:$0x3FA7]  }
0x30: {  	s3 =	sld [smem:$0x3FAA]  }
0x31: {  	[smem:$0x3FB3] =	sst s10  }
0x32: {  	s10 =	sld [smem:$0x3FB1];
	_ =	sdelay $0x3  }
0x33: {  	p0 =	seq.s32 s10, $0x1;
	s10 =	sld [smem:$0x3FB3];
	_ =	sdelay $0x3  }
0x34: {  	[smem:$0x3FB3] =	sst s10  }
0x35: {  	s10 =	sld [smem:$0x3FB2];
	_ =	sdelay $0x3  }
0x36: {  	p1 =	seq.s32 s10, $0x1;
	s10 =	sld [smem:$0x3FB3];
	_ =	sdelay $0x3  }
0x37: {  	[smem:$0x3FB3] =	sst s10  }
0x38: {  	s10 =	sld [smem:$0x3FB4]  }
0x39: {  	_ = 	snop;
	(pc) =	sbr.ind lr, $3  }
0x3a: {  	_ = 	snop  }
0x3b: {  	_ = 	snop  }
0x3c: {  	p2 =	seq.s32 s10, $0x1;
	s10 =	sld [smem:$0x3FB3]  }
0x3d: {  	_ =	shalt  }
0x3e: {  	_ =	shalt  }
0x3f: {  	_ =	shalt  }
0x40: {  	_ =	shalt  }
0x41: {  	_ =	shalt  }
0x42: {  	_ =	shalt  }
0x43: {  	_ =	shalt  }
0x44: {  	_ =	shalt  }
0x45: {  	_ =	shalt  }
0x46: {  	_ =	shalt  }
0x47: {  	_ =	shalt  }
0x48: {  	_ =	shalt  }
0x49: {  	_ =	shalt  }
0x4a: {  	_ =	shalt  }
0x4b: {  	_ =	shalt  }
0x4c: {  	_ =	shalt  }
0x4d: {  	_ =	shalt  }
0x4e: {  	_ =	shalt  }
0x4f: {  	_ =	shalt  }
0x50: {  	_ =	shalt  }
0x51: {  	_ =	shalt  }
0x52: {  	_ =	shalt  }
0x53: {  	_ =	shalt  }
0x54: {  	_ =	shalt  }
0x55: {  	_ =	shalt  }
0x56: {  	_ =	shalt  }
0x57: {  	_ =	shalt  }
0x58: {  	_ =	shalt  }
0x59: {  	_ =	shalt  }
0x5a: {  	_ =	shalt  }
0x5b: {  	_ =	shalt  }
0x5c: {  	_ =	shalt  }
0x5d: {  	_ =	shalt  }
0x5e: {  	_ =	shalt  }
0x5f: {  	_ =	shalt  }
0x60: {  	_ =	shalt  }
0x61: {  	_ =	shalt  }
0x62: {  	_ =	shalt  }
0x63: {  	_ =	shalt  }
0x64: {  	_ =	shalt  }
0x65: {  	_ =	shalt  }
0x66: {  	_ =	shalt  }
0x67: {  	_ =	shalt  }
0x68: {  	_ =	shalt  }
0x69: {  	_ =	shalt  }
0x6a: {  	_ =	shalt  }
0x6b: {  	_ =	shalt  }
0x6c: {  	_ =	shalt  }
0x6d: {  	_ =	shalt  }
0x6e: {  	_ =	shalt  }
0x6f: {  	_ =	shalt  }
0x70: {  	_ =	shalt  }
0x71: {  	_ =	shalt  }
0x72: {  	_ =	shalt  }
0x73: {  	_ =	shalt  }
0x74: {  	_ =	shalt  }
0x75: {  	_ =	shalt  }
0x76: {  	_ =	shalt  }
0x77: {  	_ =	shalt  }
0x78: {  	_ =	shalt  }
0x79: {  	_ =	shalt  }
0x7a: {  	_ =	shalt  }
0x7b: {  	_ =	shalt  }
0x7c: {  	_ =	shalt  }
0x7d: {  	_ =	shalt  }
0x7e: {  	_ =	shalt  }
0x7f: {  	_ =	shalt  }
0x80: {  	_ =	shalt  }
0x81: {  	_ =	shalt  }
0x82: {  	_ =	shalt  }
0x83: {  	_ =	shalt  }
0x84: {  	_ =	shalt  }
0x85: {  	_ =	shalt  }
0x86: {  	_ =	shalt  }
0x87: {  	_ =	shalt  }
.Lfunc_end0:
.L_simem_size_0:
called_computation.2_lowered:
.L_overlay_start_0:
0x88: {  	s2 =	sld [smem:$0x3FD9]  }
0x89: {  	s3 =	sld [smem:$0x3FFE];
	_ =	sdelay $0x1  }
0x8a: {  	s1 =	srdreg.scid  }
0x8b: {  	s0 =	sand.u32 $0x1, s1  }
0x8c: {  	s17 =	sshll.u32 s0, $0xA;
	s2 =	sadd.s32 s3, s2  }
0x8d: {  	s2 =	sadd.s32 s2, s17  }
0x8e: {  	[smem:$0x3FBF] =	sst s2  }
0x8f: {  	_ = 	snop  }
0x90: {  	s2 =	sld [smem:$0x3FD0];
	(tm) =	ssettm $0x1  }
0x91: {  	s18 =	sld [smem:$0x3FFB];
	_ =	sdelay $0x3  }
0x92: {  	_ =	strace s18  }
0x93: {  	s3 =	sld [smem:$0x3FFC];
	_ =	sdelay $0x3  }
0x94: {  	_ =	strace s3  }
0x95: {  	s3 =	sld [smem:$0x3FFD];
	_ =	sdelay $0x3  }
0x96: {  	_ =	strace s3  }
0x97: {  	_ =	strace $0x8FFFFFFF  }
0x98: {  	s19 =	sld [smem:$0x3FDB];
	_ =	sdelay $0x1  }
0x99: {  	s4 =	simm.s32 $_scs_section_size  }
0x9a: {  	s5 =	simm.s32 $_size__tile_overlayer_lowered;
	s6 =	simm.s32 $_tile_overlayer_lowered  }
0x9b: {  	s22 =	simm.s32 $0x1BFF;
	s21 =	sshll.u32 s6, $0x1;
	s3 =	sadd.s32 s4, s19  }
0x9c: {  	s7 =	simm.s32 $0x0;
	s20 =	sshll.u32 s5, $0x1;
	s5 =	sadd.s32 s21, s3  }
0x9d: {  	[timem:s7], [sflag:s22] =	dma.local [hbm:s5], s20  }
0x9e: {  	_ =	swait.ge [sflag:s22], s20  }
0x9f: {  	s4 =	ssub.s32 $0x0, s20;
	[sflag:s22] =	ssyncset.done $0x0  }
0xa0: {  	[sflag:s22] =	ssyncadd.s32 s4;
	_ =	sdelay $0x1  }
0xa1: {  	s23 =	simm.s32 $0x1B8B  }
0xa2: {  	_ =	swait.ge [sflag:s23], $0x1  }
0xa3: {  	[sflag:s23] =	ssyncset.done $0x0  }
0xa4: {  	s25 =	simm.s32 $0x1B8E;
	s24 =	sld [smem:$0x3FFE];
	[sflag:s23] =	ssyncadd.s32 $0xFFFFFFFF  }
0xa5: {  	s26 =	simm.s32 $execute0_lowered;
	[smem:$0x3FD2] =	sst s25  }
0xa6: {  	s5 =	sshll.u32 s26, $0x1;
	_ =	strace $0x8000004C;
	[dreg:$0x1] =	wrdreg $0xFFFFFFFF  }
0xa7: {  	s28 =	simm.s32 $_size_execute0_lowered;
	s3 =	sadd.s32 s3, s5;
	[dreg:$0x0] =	wrdreg $0x0  }
0xa8: {  	s5 =	sshll.u32 s28, $0x1;
	[dreg:$0x2] =	wrdreg s3  }
0xa9: {  	[dreg:$0x3] =	wrdreg s5  }
0xaa: {  	[dreg:$0x4] =	wrdreg $0xC0  }
0xab: {  	_ =	task [dreg:s7], $0x5FFFF  }
0xac: {  	[dreg:$0x1] =	wrdreg $0xFFFFFFFF  }
0xad: {  	[dreg:$0x0] =	wrdreg $0x60  }
0xae: {  	[dreg:$0x2] =	wrdreg s24  }
0xaf: {  	[dreg:$0x3] =	wrdreg s2  }
0xb0: {  	[dreg:$0x4] =	wrdreg $0xB7800  }
0xb1: {  	[dreg:$0x5] =	wrdreg $0x9  }
0xb2: {  	_ =	task.clear_ibuf [dreg:s7], $0x6FFFF;
	_ =	strace $0x9000004C  }
0xb3: {  	s29 =	simm.s32 $0x9;
	_ =	strace $0x8000004E  }
0xb4: {  	_ =	swait.ge [sflag:s29], $0x1  }
0xb5: {  	[sflag:s29] =	ssyncadd.s32 $0xFFFFFFFF  }
0xb6: {  	_ =	strace $0x9000004E  }
0xb7: {  	_ =	sfence  }
0xb8: {  	s30 =	sld [smem:$0x0];
	_ =	sdelay $0x2  }
0xb9: {  	s31 =	sshll.u32 s1, $0xD;
	s1 =	sshrl.u32 s1, $0x2  }
0xba: {  	s3 =	sand.u32 $0x4000, s31;
	s1 =	sadd.s32 s1, s30  }
0xbb: {  	s0 =	sor.u32 s3, s0;
	s1 =	sshll.u32 s1, $0x11  }
0xbc: {  	s0 =	sor.u32 s1, s0  }
0xbd: {  	s0 =	sadd.s32 $0x8F2B, s0  }
0xbe: {  	[sflag:s0] =	ssyncadd.remote.s32 $0x1  }
0xbf: {  	_ =	sfence.sel $0xFFFF  }
0xc0: {  	[dreg:$0x0] =	wrdreg $0xFFFFFFFF;
	(pc) =	sbr.abs _section_cstart, $3  }
0xc1: {  	[dreg:$0x1] =	wrdreg $0xFFFFFFFF  }
0xc2: {  	_ =	task.clear_ibuf [dreg:s7], $0x2FFFF;
	_ =	strace $0x9FFFFFFF  }
0xc3: {  	(tm) =	ssettm $0x7FFFFFFF  }
tec
execute0_lowered:
.L_overlay_start_1:
0x0: {  	(tag) =	ssettag $0x1  }
0x1: {  	s7 =	rddreg [dreg:$0x0]  }
0x2: {  	s0 =	srdreg.scid;
	s8 =	rddreg [dreg:$0x1]  }
0x3: {  	s14 =	stileid.u32;
	s1 =	rddreg [dreg:$0x2]  }
0x4: {  	s2 =	simm.s32 $0x0;
	s17 =	simm.s32 $0x50;
	s18 =	simm.s32 $0x6780  }
0x5: {  	s19 =	simm.s32 $0x8F80;
	s20 =	simm.s32 $0x1;
	s21 =	simm.s32 $0x2  }
0x6: {  	s22 =	simm.s32 $0x2710;
	s23 =	simm.s32 $0x6580;
	s24 =	simm.s32 $0x6600  }
0x7: {  	s25 =	simm.s32 $0x0;
	s5 =	sand.u32 $0x1, s0;
	s11 =	smul.u32 $0x4E000, s14  }
0x8: {  	s26 =	sshll.u32 s14, $0x7;
	[smem:$0x7FF] =	sst s2;
	s28 =	smul.u32 $0x13800, s14  }
0x9: {  	s16 =	sadd.s32 $0x138000, s1;
	p0 =	sne.s32 s14, $0x0;
	s0 =	sshll.u32 s5, $0x4  }
0xa: {  	s4 =	sand.u32 $0x380, s26;
	s10 =	ssub.s32 $0x2, s5;
	s13 =	smul.u32 $0x138800, s5  }
0xb: {  	s16 =	sshrl.u32 @!p0 s16, $0x3;
	s6 =	sor.u32 s14, s0;
	s12 =	sshrl.u32 s10, $0x1  }
0xc: {  	s29 =	sshrl.u32 s11, $0x2;
	s11 =	simm.s32 $0x400;
	s14 =	sshll.u32 s14, $0x6  }
0xd: {  	s0 =	sshrl.u32 s6, $0x3;
	s10 =	ssub.s32 s10, s12;
	s6 =	sshll.u32 s6, $0xB  }
0xe: {  	s15 =	sadd.s32 s29, s1;
	s30 =	sadd.s32 s28, s13;
	s31 =	sshrl.u32 s13, $0x3  }
0xf: {  	s12 =	simm.s32 $0x3;
	s13 =	simm.s32 $0x2780;
	s3 =	smul.u32 $0x13C00, s0  }
0x10: {  	s14 =	sor.u32 $0x1C03, s14;
	s0 =	rddreg [dreg:$0x3];
	_ =	strace $0x8000004D  }
0x11: {  	s6 =	sadd.s32 s8, s6;
	s8 =	sshrl.u32 s30, $0x3;
	s3 =	sor.u32 s4, s3  }
0x12: {  	s15 =	sshrl.u32 s15, $0x3;
	s4 =	sshrl.u32 s3, $0x3;
	s3 =	sadd.s32 $0xC600, s7  }
0x13: {  	s9 =	sadd.s32 s4, s7;
	s4 =	sadd.s32 $0x33800, s7;
	s7 =	sadd.s32 $0x36000, s7  }
0x14: {  	s5 =	sadd.s32 $0x2800, s9;
	s9 =	sadd.s32 s7, s31;
	s7 =	sadd.s32 s7, s8  }
0x15: {  	s8 =	sadd.s32 $0x27000, s9;
	s9 =	smax.u32 s10, $0x1;
	s10 =	simm.s32 $0x80  }
.LBB2_1:
0x16: {  	[tilespmem:s2], [sflag:$0x3] =	stream.strided.gather [hbm4b:s5+s10], $0x2780, s11, s10, $0x38;
	[tilespmem:$0x1F040] =	vst v63  }
0x17: {  	_ =	swait.ge [sflag:s12], $0x2780  }
0x18: {  	[sflag:s12] =	ssyncset.done $0x0  }
0x19: {  	[sflag:s12] =	ssyncadd.s32 $0xFFFFD880  }
0x1a: {  	[tilespmem:s13], [sflag:$0x3] =	stream.linear.gather [hbm4b:s6+s2], $0x3F00, $0x38;
	[tilespmem:$0x1F040] =	vst v63  }
0x1b: {  	_ =	swait.ge [sflag:s12], $0x3F00  }
0x1c: {  	[sflag:s12] =	ssyncset.done $0x0  }
0x1d: {  	[sflag:s12] =	ssyncadd.s32 $0xFFFFC100  }
0x1e: {  	[spmem:s15], [sflag:s14] =	dma.local [hbm:s4], $0x2700  }
0x1f: {  	_ =	swait.ge [sflag:s12], $0x2700  }
0x20: {  	[sflag:s12] =	ssyncset.done $0x0  }
0x21: {  	s26 =	simm.s32 @!p0 $0x3;
	[sflag:s12] =	ssyncadd.s32 $0xFFFFD900  }
0x22: {  	[spmem:s16], [sflag:s14] =	dma.local @!p0 [hbm:s4], $0x100  }
0x23: {  	_ =	swait.ge @!p0 [sflag:s26], $0x100  }
0x24: {  	[sflag:s26] =	ssyncset.done @!p0 $0x0  }
0x25: {  	[sflag:s26] =	ssyncadd.s32 @!p0 $0xFFFFFF00  }
0x26: {  	[bflag:$0x0] =	sbarrier.arrive $0xFFFF  }
0x27: {  	[tilespmem:s18], [sflag:$0x1] =	stream.indirect.gather [hbm4b:s3+s17], $0x80, s2, s17, $0xb8;
	[tilespmem:$0x1F040] =	vst v63  }
0x28: {  	s30 =	simm.s32 $0x50  }
0x29: {  	[tilespmem:s19], [sflag:$0x2] =	stream.indirect.gather [hbm4b:s3+s17], $0x80, s30, s17, $0xb8;
	[tilespmem:$0x1F040] =	vst v63  }
0x2a: {  	_ =	swait.ge [sflag:s20], $0x2800  }
0x2b: {  	[sflag:s20] =	ssyncset.done $0x0  }
0x2c: {  	s31 =	simm.s32 $0x2780;
	[sflag:s20] =	ssyncadd.s32 $0xFFFFD800  }
0x2d: {  	[spmem:s1] =	stream.indirect.scatter.add.f32 [tilespmem:s18], [sflag:$0x3], $0x80, s31, s17, $0xb8;
	[tilespmem:$0x1F040] =	vst v63  }
0x2e: {  	_ =	swait.ge [sflag:s12], $0x2800  }
0x2f: {  	[sflag:s12] =	ssyncset.done $0x0  }
0x30: {  	s30 =	simm.s32 $0xA0;
	[sflag:s12] =	ssyncadd.s32 $0xFFFFD800  }
0x31: {  	[tilespmem:s18], [sflag:$0x1] =	stream.indirect.gather [hbm4b:s3+s17], $0x80, s30, s17, $0xb8;
	[tilespmem:$0x1F040] =	vst v63  }
0x32: {  	_ =	swait.ge [sflag:s21], $0x2800  }
0x33: {  	[sflag:s21] =	ssyncset.done $0x0  }
0x34: {  	s31 =	simm.s32 $0x2800;
	[sflag:s21] =	ssyncadd.s32 $0xFFFFD800  }
0x35: {  	[spmem:s1] =	stream.indirect.scatter.add.f32 [tilespmem:s19], [sflag:$0x3], $0x80, s31, s17, $0xb8;
	[tilespmem:$0x1F040] =	vst v63  }
0x36: {  	s28 =	simm.s32 $0x400;
	_ =	swait.ge [sflag:s12], $0x2800  }
0x37: {  	s29 =	simm.s32 $0x800;
	s26 =	simm.s32 $0x140;
	[sflag:s12] =	ssyncset.done $0x0  }
.LBB2_2:
0x38: {  	p1 =	sne.s32 s29, $0xF400;
	s30 =	sadd.s32 $0xFFFFFFB0, s26;
	[sflag:s12] =	ssyncadd.s32 $0xFFFFD800  }
0x39: {  	[tilespmem:s19], [sflag:$0x2] =	stream.indirect.gather [hbm4b:s3+s17], $0x80, s30, s17, $0xb8;
	[tilespmem:$0x1F040] =	vst v63  }
0x3a: {  	s30 =	smov.u32 s29;
	s29 =	sadd.s32 $0x400, s29;
	_ =	swait.ge [sflag:s20], $0x2800  }
0x3b: {  	s31 =	sshra.s32 s28, $0x2;
	s28 =	smov.u32 s30;
	[sflag:s20] =	ssyncset.done $0x0  }
0x3c: {  	s30 =	sadd.s32 $0x2780, s31;
	[sflag:s20] =	ssyncadd.s32 $0xFFFFD800  }
0x3d: {  	[spmem:s1] =	stream.indirect.scatter.add.f32 [tilespmem:s18], [sflag:$0x3], $0x80, s30, s17, $0xb8;
	[tilespmem:$0x1F040] =	vst v63  }
0x3e: {  	_ =	swait.ge [sflag:s12], $0x2800  }
0x3f: {  	[sflag:s12] =	ssyncset.done $0x0  }
0x40: {  	[sflag:s12] =	ssyncadd.s32 $0xFFFFD800  }
0x41: {  	[tilespmem:s18], [sflag:$0x1] =	stream.indirect.gather [hbm4b:s3+s17], $0x80, s26, s17, $0xb8;
	[tilespmem:$0x1F040] =	vst v63  }
0x42: {  	_ =	swait.ge [sflag:s21], $0x2800  }
.Ltmp0:
0x43: {  	[sflag:s21] =	ssyncset.done $0x0;
	(pc) =	sbr.rel @p1 .LBB2_2-.Ltmp0, $4  }
0x44: {  	s30 =	sadd.s32 $0x2800, s31;
	[sflag:s21] =	ssyncadd.s32 $0xFFFFD800  }
0x45: {  	[spmem:s1] =	stream.indirect.scatter.add.f32 [tilespmem:s19], [sflag:$0x3], $0x80, s30, s17, $0xb8;
	[tilespmem:$0x1F040] =	vst v63  }
0x46: {  	_ =	swait.ge [sflag:s12], $0x2800  }
0x47: {  	s26 =	sadd.s32 $0xA0, s26;
	[sflag:s12] =	ssyncset.done $0x0  }
0x48: {  	s29 =	sadd.s32 $0xFFFFFFB0, s26;
	[sflag:s12] =	ssyncadd.s32 $0xFFFFD800  }
0x49: {  	[tilespmem:s19], [sflag:$0x2] =	stream.indirect.gather [hbm4b:s3+s17], $0x80, s29, s17, $0xb8;
	[tilespmem:$0x1F040] =	vst v63  }
0x4a: {  	_ =	swait.ge [sflag:s20], $0x2800  }
0x4b: {  	s28 =	sshra.s32 s28, $0x2;
	[sflag:s20] =	ssyncset.done $0x0  }
0x4c: {  	s30 =	sadd.s32 $0x2780, s28;
	[sflag:s20] =	ssyncadd.s32 $0xFFFFD800  }
0x4d: {  	[spmem:s1] =	stream.indirect.scatter.add.f32 [tilespmem:s18], [sflag:$0x3], $0x80, s30, s17, $0xb8;
	[tilespmem:$0x1F040] =	vst v63  }
0x4e: {  	_ =	swait.ge [sflag:s12], $0x2800  }
0x4f: {  	[sflag:s12] =	ssyncset.done $0x0  }
0x50: {  	[sflag:s12] =	ssyncadd.s32 $0xFFFFD800  }
0x51: {  	[tilespmem:s18], [sflag:$0x1] =	stream.indirect.gather [hbm4b:s3+s17], $0x80, s26, s17, $0xb8;
	[tilespmem:$0x1F040] =	vst v63  }
0x52: {  	_ =	swait.ge [sflag:s21], $0x2800  }
0x53: {  	[sflag:s21] =	ssyncset.done $0x0  }
0x54: {  	s31 =	sadd.s32 $0x2800, s28;
	[sflag:s21] =	ssyncadd.s32 $0xFFFFD800  }
0x55: {  	[spmem:s1] =	stream.indirect.scatter.add.f32 [tilespmem:s19], [sflag:$0x3], $0x80, s31, s17, $0xb8;
	[tilespmem:$0x1F040] =	vst v63  }
0x56: {  	_ =	swait.ge [sflag:s12], $0x2800  }
0x57: {  	[sflag:s12] =	ssyncset.done $0x0  }
0x58: {  	[sflag:s12] =	ssyncadd.s32 $0xFFFFD800  }
0x59: {  	[tilespmem:s19], [sflag:$0x2] =	stream.indirect.gather [hbm4b:s3+s17], $0x80, s22, s17, $0xb8;
	[tilespmem:$0x1F040] =	vst v63  }
0x5a: {  	_ =	swait.ge [sflag:s20], $0x2800  }
0x5b: {  	[sflag:s20] =	ssyncset.done $0x0  }
0x5c: {  	[sflag:s20] =	ssyncadd.s32 $0xFFFFD800  }
0x5d: {  	[spmem:s1] =	stream.indirect.scatter.add.f32 [tilespmem:s18], [sflag:$0x3], $0x80, s23, s17, $0xb8;
	[tilespmem:$0x1F040] =	vst v63  }
0x5e: {  	_ =	swait.ge [sflag:s12], $0x2800  }
0x5f: {  	[sflag:s12] =	ssyncset.done $0x0  }
0x60: {  	[sflag:s12] =	ssyncadd.s32 $0xFFFFD800  }
0x61: {  	_ =	swait.ge [sflag:s21], $0x2800  }
0x62: {  	[sflag:s21] =	ssyncset.done $0x0  }
0x63: {  	[sflag:s21] =	ssyncadd.s32 $0xFFFFD800  }
0x64: {  	[spmem:s1] =	stream.indirect.scatter.add.f32 [tilespmem:s19], [sflag:$0x3], $0x80, s24, s17, $0xb8;
	[tilespmem:$0x1F040] =	vst v63  }
0x65: {  	_ =	swait.ge [sflag:s12], $0x2800  }
0x66: {  	[sflag:s12] =	ssyncset.done $0x0  }
0x67: {  	[sflag:s12] =	ssyncadd.s32 $0xFFFFD800  }
0x68: {  	[bflag:$0x0] =	sbarrier.arrive $0xFFFF  }
0x69: {  	[hbm:s7], [sflag:s14] =	dma.local [spmem:s15], $0x2700  }
0x6a: {  	s25 =	sadd.s32 $0x1, s25;
	_ =	swait.ge [sflag:s12], $0x2700  }
0x6b: {  	p1 =	sne.s32 s25, s9;
	[sflag:s12] =	ssyncset.done $0x0  }
.Ltmp1:
0x6c: {  	s26 =	simm.s32 @!p0 $0x3;
	[sflag:s12] =	ssyncadd.s32 $0xFFFFD900;
	(pc) =	sbr.rel @p1 .LBB2_1-.Ltmp1, $4  }
0x6d: {  	[hbm:s8], [sflag:s14] =	dma.local @!p0 [spmem:s16], $0x100  }
0x6e: {  	_ =	swait.ge @!p0 [sflag:s26], $0x100  }
0x6f: {  	[sflag:s26] =	ssyncset.done @!p0 $0x0  }
0x70: {  	[sflag:s26] =	ssyncadd.s32 @!p0 $0xFFFFFF00  }
0x71: {  	_ =	sfence.sel $0x180000  }
0x72: {  	[bflag:$0x0] =	sbarrier.arrive $0xFFFF  }
0x73: {  	_ =	strace $0x9000004D  }
0x74: {  	s0 =	sadd.s32 @!p0 $0x100000, s0;
	[bflag:$0x2] =	sbarrier.arrive $0xFFFF  }
0x75: {  	[sflag:s0] =	ssyncadd.tile.s32 @!p0 $0x1;
	_ =	shalt  }
.Lfunc_end2:
_tile_overlayer_lowered:
.L_overlay_start_2:
0x76: {  	(tag) =	ssettag $0x2  }
0x77: {  	s0 =	rddreg [dreg:$0x0];
	s2 =	stileid.u32  }
0x78: {  	s1 =	rddreg [dreg:$0x1];
	p0 =	sne.s32 s2, $0x0  }
0x79: {  	s3 =	rddreg [dreg:$0x2];
	[bflag:$0x3] =	sbarrier.arrive $0xFFFF;
	s2 =	simm.s32 @!p0 $0x1C03  }
0x7a: {  	[timem:s3], [sflag:s2] =	dma.local @!p0 [hbm:s0], s1  }
0x7b: {  	s0 =	simm.s32 @!p0 $0x3  }
0x7c: {  	_ =	swait.ge @!p0 [sflag:s0], s1  }
0x7d: {  	s1 =	ssub.s32 @!p0 $0x0, s1;
	[sflag:s0] =	ssyncset.done @!p0 $0x0  }
0x7e: {  	[sflag:s0] =	ssyncadd.s32 @!p0 s1  }
0x7f: {  	[bflag:$0x3] =	sbarrier.arrive $0xFFFF  }
0x80: {  	_ =	shalt  }

// kernel: kernel.9.cloned.1.call-start
scs
__scs_entry_jumppad:
0x0: {  	(pc) =	sbr.rel $0x88, $3  }
0x1: {  	(tag) =	ssettag $0x0;
	lr =	simm.s32 $0x1  }
0x2: {  	[smem:$0x3F98] =	sst lr;
	_ =	strace $0xD0000000  }
0x3: {  	_ = 	snop  }
0x4: {  	_ = 	snop  }
0x5: {  	_ = 	snop  }
0x6: {  	_ = 	snop  }
0x7: {  	_ = 	snop  }
__scs_overlays_trampoline_lowered:
0x8: {  	[smem:$0x3FA7] =	sst s0  }
0x9: {  	[smem:$0x3FA8] =	sst s1  }
0xa: {  	[smem:$0x3FA9] =	sst s2  }
0xb: {  	[smem:$0x3FAA] =	sst s3  }
0xc: {  	[smem:$0x3FAB] =	sst s4  }
0xd: {  	[smem:$0x3FAC] =	sst s5  }
0xe: {  	[smem:$0x3FAD] =	sst s6  }
0xf: {  	[smem:$0x3FAE] =	sst s7  }
0x10: {  	[smem:$0x3FAF] =	sst s8  }
0x11: {  	[smem:$0x3FB0] =	sst s9;
	s0 =	simm.s32 @!p0 $0x0  }
0x12: {  	s1 =	sld [smem:$0x3F96];
	s0 =	simm.s32 @p0 $0x1  }
0x13: {  	[smem:$0x3FB1] =	sst s0;
	s0 =	simm.s32 @!p1 $0x0  }
0x14: {  	s2 =	sld [smem:$0x3F95];
	s0 =	simm.s32 @p1 $0x1  }
0x15: {  	[smem:$0x3FB2] =	sst s0;
	s0 =	simm.s32 @!p2 $0x0  }
0x16: {  	s3 =	sld [smem:$0x3FDB];
	s0 =	simm.s32 @p2 $0x1  }
0x17: {  	s4 =	simm.s32 $0x1BF5;
	[smem:$0x3FB4] =	sst s0  }
0x18: {  	s0 =	sld [smem:$0x3F97];
	_ =	swait.ge [sflag:s4], $0x0  }
0x19: {  	s7 =	sld [smem:$0x3F98]  }
0x1a: {  	s8 =	sadd.s32 $0xFFFFE003, lr  }
0x1b: {  	s9 =	sadd.s32 $0xFFFFFEF7, lr;
	s5 =	simm.s32 $0xFFFFFFFF;
	p2 =	slt.u32 s8, $0xFFFFF086  }
0x1c: {  	p1 =	slt.u32 s9, $0xF7A;
	s5 =	simm.s32 @!p2 $0x0  }
0x1d: {  	s5 =	simm.s32 @p1 $0x1;
	p0 =	seq.s32 s7, s2  }
0x1e: {  	s7 =	smul.u32 @!p0 $0xF7A, s2;
	p2 =	seq.s32 @!p0 s5, $0x0  }
0x1f: {  	s9 =	smul.u32 $0xF7A, s1;
	s8 =	simm.s32 @!p0 $0x1BF5;
	p2 =	por !p2, p0  }
0x20: {  	[sflag:s8] =	ssyncset.s32 @!p0 $0xFFFFF086;
	s6 =	sadd.s32 @!p0 s3, s7;
	s7 =	simm.s32 @!p0 $0x108  }
0x21: {  	s3 =	sadd.s32 s3, s9;
	s6 =	sadd.s32 @!p0 $0x88, s6;
	s7 =	simm.s32 @p2 $0x1082  }
0x22: {  	[simem:s7], [sflag:s8] =	dma.local @!p0 [hbm:s6], $0xF7A  }
0x23: {  	s9 =	sor.u32 $0xD0000000, s2;
	s6 =	simm.s32 $0x108;
	_ =	swait.ge @!p0 [sflag:s8], $0x0  }
0x24: {  	s3 =	sadd.s32 $0x88, s3;
	s6 =	simm.s32 @!p1 $0x1082;
	[sflag:s4] =	ssyncset.s32 $0xFFFFF086  }
0x25: {  	[simem:s6], [sflag:s4] =	dma.local [hbm:s3], $0xF7A  }
0x26: {  	[smem:$0x3F98] =	sst s1;
	(tag) =	ssettag s2;
	_ =	strace s9  }
0x27: {  	s1 =	sld [smem:$0x3FA8]  }
0x28: {  	s2 =	sld [smem:$0x3FA9]  }
0x29: {  	s4 =	sld [smem:$0x3FAB]  }
0x2a: {  	p0 =	seq.s32 s5, $0x0;
	s5 =	sld [smem:$0x3FAC]  }
0x2b: {  	s6 =	sld [smem:$0x3FAD]  }
0x2c: {  	s7 =	sld [smem:$0x3FAE]  }
0x2d: {  	s3 =	simm.s32 $0x108;
	s8 =	sld [smem:$0x3FAF]  }
0x2e: {  	s3 =	simm.s32 @!p0 $0x1082;
	s9 =	sld [smem:$0x3FB0]  }
0x2f: {  	lr =	sadd.s32 s0, s3;
	s0 =	sld [smem:$0x3FA7]  }
0x30: {  	s3 =	sld [smem:$0x3FAA]  }
0x31: {  	[smem:$0x3FB3] =	sst s10  }
0x32: {  	s10 =	sld [smem:$0x3FB1];
	_ =	sdelay $0x3  }
0x33: {  	p0 =	seq.s32 s10, $0x1;
	s10 =	sld [smem:$0x3FB3];
	_ =	sdelay $0x3  }
0x34: {  	[smem:$0x3FB3] =	sst s10  }
0x35: {  	s10 =	sld [smem:$0x3FB2];
	_ =	sdelay $0x3  }
0x36: {  	p1 =	seq.s32 s10, $0x1;
	s10 =	sld [smem:$0x3FB3];
	_ =	sdelay $0x3  }
0x37: {  	[smem:$0x3FB3] =	sst s10  }
0x38: {  	s10 =	sld [smem:$0x3FB4]  }
0x39: {  	_ = 	snop;
	(pc) =	sbr.ind lr, $3  }
0x3a: {  	_ = 	snop  }
0x3b: {  	_ = 	snop  }
0x3c: {  	p2 =	seq.s32 s10, $0x1;
	s10 =	sld [smem:$0x3FB3]  }
0x3d: {  	_ =	shalt  }
0x3e: {  	_ =	shalt  }
0x3f: {  	_ =	shalt  }
0x40: {  	_ =	shalt  }
0x41: {  	_ =	shalt  }
0x42: {  	_ =	shalt  }
0x43: {  	_ =	shalt  }
0x44: {  	_ =	shalt  }
0x45: {  	_ =	shalt  }
0x46: {  	_ =	shalt  }
0x47: {  	_ =	shalt  }
0x48: {  	_ =	shalt  }
0x49: {  	_ =	shalt  }
0x4a: {  	_ =	shalt  }
0x4b: {  	_ =	shalt  }
0x4c: {  	_ =	shalt  }
0x4d: {  	_ =	shalt  }
0x4e: {  	_ =	shalt  }
0x4f: {  	_ =	shalt  }
0x50: {  	_ =	shalt  }
0x51: {  	_ =	shalt  }
0x52: {  	_ =	shalt  }
0x53: {  	_ =	shalt  }
0x54: {  	_ =	shalt  }
0x55: {  	_ =	shalt  }
0x56: {  	_ =	shalt  }
0x57: {  	_ =	shalt  }
0x58: {  	_ =	shalt  }
0x59: {  	_ =	shalt  }
0x5a: {  	_ =	shalt  }
0x5b: {  	_ =	shalt  }
0x5c: {  	_ =	shalt  }
0x5d: {  	_ =	shalt  }
0x5e: {  	_ =	shalt  }
0x5f: {  	_ =	shalt  }
0x60: {  	_ =	shalt  }
0x61: {  	_ =	shalt  }
0x62: {  	_ =	shalt  }
0x63: {  	_ =	shalt  }
0x64: {  	_ =	shalt  }
0x65: {  	_ =	shalt  }
0x66: {  	_ =	shalt  }
0x67: {  	_ =	shalt  }
0x68: {  	_ =	shalt  }
0x69: {  	_ =	shalt  }
0x6a: {  	_ =	shalt  }
0x6b: {  	_ =	shalt  }
0x6c: {  	_ =	shalt  }
0x6d: {  	_ =	shalt  }
0x6e: {  	_ =	shalt  }
0x6f: {  	_ =	shalt  }
0x70: {  	_ =	shalt  }
0x71: {  	_ =	shalt  }
0x72: {  	_ =	shalt  }
0x73: {  	_ =	shalt  }
0x74: {  	_ =	shalt  }
0x75: {  	_ =	shalt  }
0x76: {  	_ =	shalt  }
0x77: {  	_ =	shalt  }
0x78: {  	_ =	shalt  }
0x79: {  	_ =	shalt  }
0x7a: {  	_ =	shalt  }
0x7b: {  	_ =	shalt  }
0x7c: {  	_ =	shalt  }
0x7d: {  	_ =	shalt  }
0x7e: {  	_ =	shalt  }
0x7f: {  	_ =	shalt  }
0x80: {  	_ =	shalt  }
0x81: {  	_ =	shalt  }
0x82: {  	_ =	shalt  }
0x83: {  	_ =	shalt  }
0x84: {  	_ =	shalt  }
0x85: {  	_ =	shalt  }
0x86: {  	_ =	shalt  }
0x87: {  	_ =	shalt  }
.Lfunc_end0:
.L_simem_size_0:
called_computation_lowered:
.L_overlay_start_0:
0x88: {  	s2 =	sld [smem:$0x3FD9]  }
0x89: {  	s3 =	sld [smem:$0x3FFE];
	_ =	sdelay $0x1  }
0x8a: {  	s1 =	srdreg.scid  }
0x8b: {  	s0 =	sand.u32 $0x1, s1  }
0x8c: {  	s17 =	sshll.u32 s0, $0xA;
	s2 =	sadd.s32 s3, s2  }
0x8d: {  	s2 =	sadd.s32 s2, s17  }
0x8e: {  	[smem:$0x3FBF] =	sst s2  }
0x8f: {  	_ = 	snop  }
0x90: {  	s2 =	sld [smem:$0x3FD0];
	(tm) =	ssettm $0x1  }
0x91: {  	s18 =	sld [smem:$0x3FFB];
	_ =	sdelay $0x3  }
0x92: {  	_ =	strace s18  }
0x93: {  	s3 =	sld [smem:$0x3FFC];
	_ =	sdelay $0x3  }
0x94: {  	_ =	strace s3  }
0x95: {  	s3 =	sld [smem:$0x3FFD];
	_ =	sdelay $0x3  }
0x96: {  	_ =	strace s3  }
0x97: {  	_ =	strace $0x8FFFFFFF  }
0x98: {  	s19 =	sld [smem:$0x3FDB];
	_ =	sdelay $0x1  }
0x99: {  	s4 =	simm.s32 $_scs_section_size  }
0x9a: {  	s5 =	simm.s32 $_size__tile_overlayer_lowered;
	s6 =	simm.s32 $_tile_overlayer_lowered  }
0x9b: {  	s22 =	simm.s32 $0x1BFF;
	s21 =	sshll.u32 s6, $0x1;
	s3 =	sadd.s32 s4, s19  }
0x9c: {  	s7 =	simm.s32 $0x0;
	s20 =	sshll.u32 s5, $0x1;
	s5 =	sadd.s32 s21, s3  }
0x9d: {  	[timem:s7], [sflag:s22] =	dma.local [hbm:s5], s20  }
0x9e: {  	_ =	swait.ge [sflag:s22], s20  }
0x9f: {  	s4 =	ssub.s32 $0x0, s20;
	[sflag:s22] =	ssyncset.done $0x0  }
0xa0: {  	[sflag:s22] =	ssyncadd.s32 s4;
	_ =	sdelay $0x1  }
0xa1: {  	s23 =	simm.s32 $0x1B8B  }
0xa2: {  	_ =	swait.ge [sflag:s23], $0x1  }
0xa3: {  	[sflag:s23] =	ssyncset.done $0x0  }
0xa4: {  	s25 =	simm.s32 $0x1B8E;
	s24 =	sld [smem:$0x3FFE];
	[sflag:s23] =	ssyncadd.s32 $0xFFFFFFFF  }
0xa5: {  	s26 =	simm.s32 $execute0_lowered;
	[smem:$0x3FD2] =	sst s25  }
0xa6: {  	s5 =	sshll.u32 s26, $0x1;
	_ =	strace $0x80000046;
	[dreg:$0x1] =	wrdreg $0xFFFFFFFF  }
0xa7: {  	s28 =	simm.s32 $_size_execute0_lowered;
	s3 =	sadd.s32 s3, s5;
	[dreg:$0x0] =	wrdreg $0x0  }
0xa8: {  	s5 =	sshll.u32 s28, $0x1;
	[dreg:$0x2] =	wrdreg s3  }
0xa9: {  	[dreg:$0x3] =	wrdreg s5  }
0xaa: {  	[dreg:$0x4] =	wrdreg $0xC0  }
0xab: {  	_ =	task [dreg:s7], $0x5FFFF  }
0xac: {  	[dreg:$0x1] =	wrdreg $0xFFFFFFFF  }
0xad: {  	[dreg:$0x0] =	wrdreg $0x60  }
0xae: {  	[dreg:$0x2] =	wrdreg s24  }
0xaf: {  	[dreg:$0x3] =	wrdreg s2  }
0xb0: {  	[dreg:$0x4] =	wrdreg $0xB7800  }
0xb1: {  	[dreg:$0x5] =	wrdreg $0x9  }
0xb2: {  	_ =	task.clear_ibuf [dreg:s7], $0x6FFFF;
	_ =	strace $0x90000046  }
0xb3: {  	s29 =	simm.s32 $0x9;
	_ =	strace $0x80000048  }
0xb4: {  	_ =	swait.ge [sflag:s29], $0x1  }
0xb5: {  	[sflag:s29] =	ssyncadd.s32 $0xFFFFFFFF  }
0xb6: {  	_ =	strace $0x90000048  }
0xb7: {  	_ =	sfence  }
0xb8: {  	s30 =	sld [smem:$0x0];
	_ =	sdelay $0x2  }
0xb9: {  	s31 =	sshll.u32 s1, $0xD;
	s1 =	sshrl.u32 s1, $0x2  }
0xba: {  	s3 =	sand.u32 $0x4000, s31;
	s1 =	sadd.s32 s1, s30  }
0xbb: {  	s0 =	sor.u32 s3, s0;
	s1 =	sshll.u32 s1, $0x11  }
0xbc: {  	s0 =	sor.u32 s1, s0  }
0xbd: {  	s0 =	sadd.s32 $0x8F2B, s0  }
0xbe: {  	[sflag:s0] =	ssyncadd.remote.s32 $0x1  }
0xbf: {  	_ =	sfence.sel $0xFFFF  }
0xc0: {  	[dreg:$0x0] =	wrdreg $0xFFFFFFFF;
	(pc) =	sbr.abs _section_cstart, $3  }
0xc1: {  	[dreg:$0x1] =	wrdreg $0xFFFFFFFF  }
0xc2: {  	_ =	task.clear_ibuf [dreg:s7], $0x2FFFF;
	_ =	strace $0x9FFFFFFF  }
0xc3: {  	(tm) =	ssettm $0x7FFFFFFF  }
tec
execute0_lowered:
.L_overlay_start_1:
0x0: {  	(tag) =	ssettag $0x1  }
0x1: {  	s7 =	rddreg [dreg:$0x0]  }
0x2: {  	s0 =	srdreg.scid;
	s8 =	rddreg [dreg:$0x1]  }
0x3: {  	s14 =	stileid.u32;
	s1 =	rddreg [dreg:$0x2]  }
0x4: {  	s2 =	simm.s32 $0x0;
	s17 =	simm.s32 $0x50;
	s18 =	simm.s32 $0x6780  }
0x5: {  	s19 =	simm.s32 $0x8F80;
	s20 =	simm.s32 $0x1;
	s21 =	simm.s32 $0x2  }
0x6: {  	s22 =	simm.s32 $0x2710;
	s23 =	simm.s32 $0x6580;
	s24 =	simm.s32 $0x6600  }
0x7: {  	s25 =	simm.s32 $0x0;
	s5 =	sand.u32 $0x1, s0;
	s11 =	smul.u32 $0x4E000, s14  }
0x8: {  	s26 =	sshll.u32 s14, $0x7;
	[smem:$0x7FF] =	sst s2;
	s28 =	smul.u32 $0x13800, s14  }
0x9: {  	s16 =	sadd.s32 $0x138000, s1;
	p0 =	sne.s32 s14, $0x0;
	s0 =	sshll.u32 s5, $0x4  }
0xa: {  	s4 =	sand.u32 $0x380, s26;
	s10 =	ssub.s32 $0x2, s5;
	s13 =	smul.u32 $0x138800, s5  }
0xb: {  	s16 =	sshrl.u32 @!p0 s16, $0x3;
	s6 =	sor.u32 s14, s0;
	s12 =	sshrl.u32 s10, $0x1  }
0xc: {  	s29 =	sshrl.u32 s11, $0x2;
	s11 =	simm.s32 $0x400;
	s14 =	sshll.u32 s14, $0x6  }
0xd: {  	s0 =	sshrl.u32 s6, $0x3;
	s10 =	ssub.s32 s10, s12;
	s6 =	sshll.u32 s6, $0xB  }
0xe: {  	s15 =	sadd.s32 s29, s1;
	s30 =	sadd.s32 s28, s13;
	s31 =	sshrl.u32 s13, $0x3  }
0xf: {  	s12 =	simm.s32 $0x3;
	s13 =	simm.s32 $0x2780;
	s3 =	smul.u32 $0x13C00, s0  }
0x10: {  	s14 =	sor.u32 $0x1C03, s14;
	s0 =	rddreg [dreg:$0x3];
	_ =	strace $0x80000047  }
0x11: {  	s6 =	sadd.s32 s8, s6;
	s8 =	sshrl.u32 s30, $0x3;
	s3 =	sor.u32 s4, s3  }
0x12: {  	s15 =	sshrl.u32 s15, $0x3;
	s4 =	sshrl.u32 s3, $0x3;
	s3 =	sadd.s32 $0xC600, s7  }
0x13: {  	s9 =	sadd.s32 s4, s7;
	s4 =	sadd.s32 $0x33800, s7;
	s7 =	sadd.s32 $0x36000, s7  }
0x14: {  	s5 =	sadd.s32 $0x2800, s9;
	s9 =	sadd.s32 s7, s31;
	s7 =	sadd.s32 s7, s8  }
0x15: {  	s8 =	sadd.s32 $0x27000, s9;
	s9 =	smax.u32 s10, $0x1;
	s10 =	simm.s32 $0x80  }
.LBB2_1:
0x16: {  	[tilespmem:s2], [sflag:$0x3] =	stream.strided.gather [hbm4b:s5+s10], $0x2780, s11, s10, $0x38;
	[tilespmem:$0x1F040] =	vst v63  }
0x17: {  	_ =	swait.ge [sflag:s12], $0x2780  }
0x18: {  	[sflag:s12] =	ssyncset.done $0x0  }
0x19: {  	[sflag:s12] =	ssyncadd.s32 $0xFFFFD880  }
0x1a: {  	[tilespmem:s13], [sflag:$0x3] =	stream.linear.gather [hbm4b:s6+s2], $0x3F00, $0x38;
	[tilespmem:$0x1F040] =	vst v63  }
0x1b: {  	_ =	swait.ge [sflag:s12], $0x3F00  }
0x1c: {  	[sflag:s12] =	ssyncset.done $0x0  }
0x1d: {  	[sflag:s12] =	ssyncadd.s32 $0xFFFFC100  }
0x1e: {  	[spmem:s15], [sflag:s14] =	dma.local [hbm:s4], $0x2700  }
0x1f: {  	_ =	swait.ge [sflag:s12], $0x2700  }
0x20: {  	[sflag:s12] =	ssyncset.done $0x0  }
0x21: {  	s26 =	simm.s32 @!p0 $0x3;
	[sflag:s12] =	ssyncadd.s32 $0xFFFFD900  }
0x22: {  	[spmem:s16], [sflag:s14] =	dma.local @!p0 [hbm:s4], $0x100  }
0x23: {  	_ =	swait.ge @!p0 [sflag:s26], $0x100  }
0x24: {  	[sflag:s26] =	ssyncset.done @!p0 $0x0  }
0x25: {  	[sflag:s26] =	ssyncadd.s32 @!p0 $0xFFFFFF00  }
0x26: {  	[bflag:$0x0] =	sbarrier.arrive $0xFFFF  }
0x27: {  	[tilespmem:s18], [sflag:$0x1] =	stream.indirect.gather [hbm4b:s3+s17], $0x80, s2, s17, $0xb8;
	[tilespmem:$0x1F040] =	vst v63  }
0x28: {  	s30 =	simm.s32 $0x50  }
0x29: {  	[tilespmem:s19], [sflag:$0x2] =	stream.indirect.gather [hbm4b:s3+s17], $0x80, s30, s17, $0xb8;
	[tilespmem:$0x1F040] =	vst v63  }
0x2a: {  	_ =	swait.ge [sflag:s20], $0x2800  }
0x2b: {  	[sflag:s20] =	ssyncset.done $0x0  }
0x2c: {  	s31 =	simm.s32 $0x2780;
	[sflag:s20] =	ssyncadd.s32 $0xFFFFD800  }
0x2d: {  	[spmem:s1] =	stream.indirect.scatter.add.f32 [tilespmem:s18], [sflag:$0x3], $0x80, s31, s17, $0xb8;
	[tilespmem:$0x1F040] =	vst v63  }
0x2e: {  	_ =	swait.ge [sflag:s12], $0x2800  }
0x2f: {  	[sflag:s12] =	ssyncset.done $0x0  }
0x30: {  	s30 =	simm.s32 $0xA0;
	[sflag:s12] =	ssyncadd.s32 $0xFFFFD800  }
0x31: {  	[tilespmem:s18], [sflag:$0x1] =	stream.indirect.gather [hbm4b:s3+s17], $0x80, s30, s17, $0xb8;
	[tilespmem:$0x1F040] =	vst v63  }
0x32: {  	_ =	swait.ge [sflag:s21], $0x2800  }
0x33: {  	[sflag:s21] =	ssyncset.done $0x0  }
0x34: {  	s31 =	simm.s32 $0x2800;
	[sflag:s21] =	ssyncadd.s32 $0xFFFFD800  }
0x35: {  	[spmem:s1] =	stream.indirect.scatter.add.f32 [tilespmem:s19], [sflag:$0x3], $0x80, s31, s17, $0xb8;
	[tilespmem:$0x1F040] =	vst v63  }
0x36: {  	s28 =	simm.s32 $0x400;
	_ =	swait.ge [sflag:s12], $0x2800  }
0x37: {  	s29 =	simm.s32 $0x800;
	s26 =	simm.s32 $0x140;
	[sflag:s12] =	ssyncset.done $0x0  }
.LBB2_2:
0x38: {  	p1 =	sne.s32 s29, $0xF400;
	s30 =	sadd.s32 $0xFFFFFFB0, s26;
	[sflag:s12] =	ssyncadd.s32 $0xFFFFD800  }
0x39: {  	[tilespmem:s19], [sflag:$0x2] =	stream.indirect.gather [hbm4b:s3+s17], $0x80, s30, s17, $0xb8;
	[tilespmem:$0x1F040] =	vst v63  }
0x3a: {  	s30 =	smov.u32 s29;
	s29 =	sadd.s32 $0x400, s29;
	_ =	swait.ge [sflag:s20], $0x2800  }
0x3b: {  	s31 =	sshra.s32 s28, $0x2;
	s28 =	smov.u32 s30;
	[sflag:s20] =	ssyncset.done $0x0  }
0x3c: {  	s30 =	sadd.s32 $0x2780, s31;
	[sflag:s20] =	ssyncadd.s32 $0xFFFFD800  }
0x3d: {  	[spmem:s1] =	stream.indirect.scatter.add.f32 [tilespmem:s18], [sflag:$0x3], $0x80, s30, s17, $0xb8;
	[tilespmem:$0x1F040] =	vst v63  }
0x3e: {  	_ =	swait.ge [sflag:s12], $0x2800  }
0x3f: {  	[sflag:s12] =	ssyncset.done $0x0  }
0x40: {  	[sflag:s12] =	ssyncadd.s32 $0xFFFFD800  }
0x41: {  	[tilespmem:s18], [sflag:$0x1] =	stream.indirect.gather [hbm4b:s3+s17], $0x80, s26, s17, $0xb8;
	[tilespmem:$0x1F040] =	vst v63  }
0x42: {  	_ =	swait.ge [sflag:s21], $0x2800  }
.Ltmp0:
0x43: {  	[sflag:s21] =	ssyncset.done $0x0;
	(pc) =	sbr.rel @p1 .LBB2_2-.Ltmp0, $4  }
0x44: {  	s30 =	sadd.s32 $0x2800, s31;
	[sflag:s21] =	ssyncadd.s32 $0xFFFFD800  }
0x45: {  	[spmem:s1] =	stream.indirect.scatter.add.f32 [tilespmem:s19], [sflag:$0x3], $0x80, s30, s17, $0xb8;
	[tilespmem:$0x1F040] =	vst v63  }
0x46: {  	_ =	swait.ge [sflag:s12], $0x2800  }
0x47: {  	s26 =	sadd.s32 $0xA0, s26;
	[sflag:s12] =	ssyncset.done $0x0  }
0x48: {  	s29 =	sadd.s32 $0xFFFFFFB0, s26;
	[sflag:s12] =	ssyncadd.s32 $0xFFFFD800  }
0x49: {  	[tilespmem:s19], [sflag:$0x2] =	stream.indirect.gather [hbm4b:s3+s17], $0x80, s29, s17, $0xb8;
	[tilespmem:$0x1F040] =	vst v63  }
0x4a: {  	_ =	swait.ge [sflag:s20], $0x2800  }
0x4b: {  	s28 =	sshra.s32 s28, $0x2;
	[sflag:s20] =	ssyncset.done $0x0  }
0x4c: {  	s30 =	sadd.s32 $0x2780, s28;
	[sflag:s20] =	ssyncadd.s32 $0xFFFFD800  }
0x4d: {  	[spmem:s1] =	stream.indirect.scatter.add.f32 [tilespmem:s18], [sflag:$0x3], $0x80, s30, s17, $0xb8;
	[tilespmem:$0x1F040] =	vst v63  }
0x4e: {  	_ =	swait.ge [sflag:s12], $0x2800  }
0x4f: {  	[sflag:s12] =	ssyncset.done $0x0  }
0x50: {  	[sflag:s12] =	ssyncadd.s32 $0xFFFFD800  }
0x51: {  	[tilespmem:s18], [sflag:$0x1] =	stream.indirect.gather [hbm4b:s3+s17], $0x80, s26, s17, $0xb8;
	[tilespmem:$0x1F040] =	vst v63  }
0x52: {  	_ =	swait.ge [sflag:s21], $0x2800  }
0x53: {  	[sflag:s21] =	ssyncset.done $0x0  }
0x54: {  	s31 =	sadd.s32 $0x2800, s28;
	[sflag:s21] =	ssyncadd.s32 $0xFFFFD800  }
0x55: {  	[spmem:s1] =	stream.indirect.scatter.add.f32 [tilespmem:s19], [sflag:$0x3], $0x80, s31, s17, $0xb8;
	[tilespmem:$0x1F040] =	vst v63  }
0x56: {  	_ =	swait.ge [sflag:s12], $0x2800  }
0x57: {  	[sflag:s12] =	ssyncset.done $0x0  }
0x58: {  	[sflag:s12] =	ssyncadd.s32 $0xFFFFD800  }
0x59: {  	[tilespmem:s19], [sflag:$0x2] =	stream.indirect.gather [hbm4b:s3+s17], $0x80, s22, s17, $0xb8;
	[tilespmem:$0x1F040] =	vst v63  }
0x5a: {  	_ =	swait.ge [sflag:s20], $0x2800  }
0x5b: {  	[sflag:s20] =	ssyncset.done $0x0  }
0x5c: {  	[sflag:s20] =	ssyncadd.s32 $0xFFFFD800  }
0x5d: {  	[spmem:s1] =	stream.indirect.scatter.add.f32 [tilespmem:s18], [sflag:$0x3], $0x80, s23, s17, $0xb8;
	[tilespmem:$0x1F040] =	vst v63  }
0x5e: {  	_ =	swait.ge [sflag:s12], $0x2800  }
0x5f: {  	[sflag:s12] =	ssyncset.done $0x0  }
0x60: {  	[sflag:s12] =	ssyncadd.s32 $0xFFFFD800  }
0x61: {  	_ =	swait.ge [sflag:s21], $0x2800  }
0x62: {  	[sflag:s21] =	ssyncset.done $0x0  }
0x63: {  	[sflag:s21] =	ssyncadd.s32 $0xFFFFD800  }
0x64: {  	[spmem:s1] =	stream.indirect.scatter.add.f32 [tilespmem:s19], [sflag:$0x3], $0x80, s24, s17, $0xb8;
	[tilespmem:$0x1F040] =	vst v63  }
0x65: {  	_ =	swait.ge [sflag:s12], $0x2800  }
0x66: {  	[sflag:s12] =	ssyncset.done $0x0  }
0x67: {  	[sflag:s12] =	ssyncadd.s32 $0xFFFFD800  }
0x68: {  	[bflag:$0x0] =	sbarrier.arrive $0xFFFF  }
0x69: {  	[hbm:s7], [sflag:s14] =	dma.local [spmem:s15], $0x2700  }
0x6a: {  	s25 =	sadd.s32 $0x1, s25;
	_ =	swait.ge [sflag:s12], $0x2700  }
0x6b: {  	p1 =	sne.s32 s25, s9;
	[sflag:s12] =	ssyncset.done $0x0  }
.Ltmp1:
0x6c: {  	s26 =	simm.s32 @!p0 $0x3;
	[sflag:s12] =	ssyncadd.s32 $0xFFFFD900;
	(pc) =	sbr.rel @p1 .LBB2_1-.Ltmp1, $4  }
0x6d: {  	[hbm:s8], [sflag:s14] =	dma.local @!p0 [spmem:s16], $0x100  }
0x6e: {  	_ =	swait.ge @!p0 [sflag:s26], $0x100  }
0x6f: {  	[sflag:s26] =	ssyncset.done @!p0 $0x0  }
0x70: {  	[sflag:s26] =	ssyncadd.s32 @!p0 $0xFFFFFF00  }
0x71: {  	_ =	sfence.sel $0x180000  }
0x72: {  	[bflag:$0x0] =	sbarrier.arrive $0xFFFF  }
0x73: {  	_ =	strace $0x90000047  }
0x74: {  	s0 =	sadd.s32 @!p0 $0x100000, s0;
	[bflag:$0x2] =	sbarrier.arrive $0xFFFF  }
0x75: {  	[sflag:s0] =	ssyncadd.tile.s32 @!p0 $0x1;
	_ =	shalt  }
.Lfunc_end2:
_tile_overlayer_lowered:
.L_overlay_start_2:
0x76: {  	(tag) =	ssettag $0x2  }
0x77: {  	s0 =	rddreg [dreg:$0x0];
	s2 =	stileid.u32  }
0x78: {  	s1 =	rddreg [dreg:$0x1];
	p0 =	sne.s32 s2, $0x0  }
0x79: {  	s3 =	rddreg [dreg:$0x2];
	[bflag:$0x3] =	sbarrier.arrive $0xFFFF;
	s2 =	simm.s32 @!p0 $0x1C03  }
0x7a: {  	[timem:s3], [sflag:s2] =	dma.local @!p0 [hbm:s0], s1  }
0x7b: {  	s0 =	simm.s32 @!p0 $0x3  }
0x7c: {  	_ =	swait.ge @!p0 [sflag:s0], s1  }
0x7d: {  	s1 =	ssub.s32 @!p0 $0x0, s1;
	[sflag:s0] =	ssyncset.done @!p0 $0x0  }
0x7e: {  	[sflag:s0] =	ssyncadd.s32 @!p0 s1  }
0x7f: {  	[bflag:$0x3] =	sbarrier.arrive $0xFFFF  }
0x80: {  	_ =	shalt  }

</sc_bundles>
